<compile_context>
chip_gen: v7x
topology: tpu7x:2x2x1
jax: 0.10.2.dev20260603
libtpu: 0.0.44.dev20260713+nightly
codegen_flags: <defaults>
</compile_context>

<pallas_src>
import functools

import jax
import jax.numpy as jnp
from jax import lax
from jax.experimental import pallas as pl
from jax.experimental.pallas import tpu as pltpu
from jax.experimental.pallas import tpu_sc as plsc

N = 10000
D = 128
E = 320000
NUM_LAYERS = 3
BN_EPS = 1e-5

NC = 2
NS = 16
NW = NC * NS
NP = 10240
EPW = 10240
EPAD = NW * EPW
C = 80
NCH = EPW // C
RPT = NP // NS
DC = 128
DNCH = EPW // DC


@functools.cache
def _build_sc_kernels():
    mesh = plsc.VectorSubcoreMesh(core_axis_name="c", subcore_axis_name="s")

    @functools.partial(
        pl.kernel,
        out_type=jax.ShapeDtypeStruct((NC, NP, D), jnp.float32),
        mesh=mesh,
        scratch_types=[
            pltpu.VMEM((EPW,), jnp.int32),
            pltpu.VMEM((NCH, C), jnp.int32),
            pltpu.VMEM((C, D), jnp.float32),
            pltpu.VMEM((C, D), jnp.float32),
            pltpu.VMEM_SHARED((NP, D), jnp.float32),
            pltpu.SemaphoreType.DMA,
            pltpu.SemaphoreType.DMA,
        ],
    )
    def sc_scatter(m_hbm, row_hbm, col_hbm, zeros_hbm, out_hbm,
                   ridx, cidx, g0, g1, acc, sem0, sem1):
        cid = lax.axis_index("c")
        sid = lax.axis_index("s")
        wid = sid * NC + cid
        pltpu.async_copy(zeros_hbm, acc.at[pl.ds(sid * RPT, RPT)], sem0)
        pltpu.async_copy(row_hbm.at[wid], ridx, sem1)
        pltpu.async_copy(col_hbm.at[wid], cidx, sem1)
        pltpu.make_async_copy(zeros_hbm, acc.at[pl.ds(sid * RPT, RPT)], sem0).wait()
        pltpu.make_async_copy(row_hbm.at[wid], ridx, sem1).wait()
        pltpu.make_async_copy(col_hbm.at[wid], cidx, sem1).wait()
        plsc.subcore_barrier()

        pltpu.async_copy(m_hbm.at[ridx.at[pl.ds(0, C)]], g0, sem0)

        def body(i, carry):
            ja = 2 * i
            jb = 2 * i + 1
            jn = jnp.minimum(jb + 1, NCH - 1)
            pltpu.make_async_copy(m_hbm.at[ridx.at[pl.ds(ja * C, C)]], g0, sem0).wait()
            pltpu.async_copy(m_hbm.at[ridx.at[pl.ds(jb * C, C)]], g1, sem1)
            pltpu.sync_copy(g0, acc.at[cidx.at[ja]], add=True)
            pltpu.make_async_copy(m_hbm.at[ridx.at[pl.ds(jb * C, C)]], g1, sem1).wait()
            pltpu.async_copy(m_hbm.at[ridx.at[pl.ds(jn * C, C)]], g0, sem0)
            pltpu.sync_copy(g1, acc.at[cidx.at[jb]], add=True)
            return carry

        lax.fori_loop(0, NCH // 2, body, 0)
        pltpu.make_async_copy(m_hbm.at[ridx.at[pl.ds(0, C)]], g0, sem0).wait()
        plsc.subcore_barrier()
        pltpu.sync_copy(acc.at[pl.ds(sid * RPT, RPT)],
                        out_hbm.at[cid, pl.ds(sid * RPT, RPT)])

    @functools.partial(
        pl.kernel,
        out_type=jax.ShapeDtypeStruct((NC, NP), jnp.float32),
        mesh=mesh,
        scratch_types=[
            pltpu.VMEM((DNCH, DC), jnp.int32),
            pltpu.VMEM((DC,), jnp.float32),
            pltpu.VMEM_SHARED((NP,), jnp.float32),
        ],
    )
    def sc_degree(row_hbm, ones_hbm, zeros_hbm, out_hbm, ridx, ones_v, acc):
        cid = lax.axis_index("c")
        sid = lax.axis_index("s")
        wid = sid * NC + cid
        pltpu.sync_copy(zeros_hbm, acc.at[pl.ds(sid * RPT, RPT)])
        pltpu.sync_copy(row_hbm.at[wid], ridx)
        pltpu.sync_copy(ones_hbm, ones_v)
        plsc.subcore_barrier()

        def body(j, carry):
            pltpu.sync_copy(ones_v, acc.at[ridx.at[j]], add=True)
            return carry

        lax.fori_loop(0, DNCH, body, 0)
        plsc.subcore_barrier()
        pltpu.sync_copy(acc.at[pl.ds(sid * RPT, RPT)],
                        out_hbm.at[cid, pl.ds(sid * RPT, RPT)])

    return sc_scatter, sc_degree


def _tc_first(x_ref, aW_ref, ab_ref, W_ref, b_ref, root_ref, degp_ref,
              m_ref, t_ref, dis_ref, deg_ref):
    h = jnp.dot(x_ref[...], aW_ref[...],
                preferred_element_type=jnp.float32) + ab_ref[...]
    h2 = jnp.dot(h, W_ref[...],
                 preferred_element_type=jnp.float32) + b_ref[...]
    deg = degp_ref[0, :N] + degp_ref[1, :N] + 1.0
    dis = lax.rsqrt(deg)
    m_ref[:N, :] = dis[:, None] * jnp.maximum(h2, 0.0)
    m_ref[N:, :] = jnp.zeros((NP - N, D), jnp.float32)
    t_ref[...] = jnp.maximum(h2 + root_ref[...], 0.0) / deg[:, None]
    dis_ref[...] = dis
    deg_ref[...] = deg


def _tc_mid(s_ref, t_ref, dis_ref, deg_ref, gamma_ref, beta_ref,
            W_ref, b_ref, root_ref, m_ref, t2_ref):
    dis = dis_ref[...]
    hp = dis[:, None] * (s_ref[0, :N, :] + s_ref[1, :N, :]) + t_ref[...]
    mean = jnp.mean(hp, axis=0)
    var = jnp.mean((hp - mean) ** 2, axis=0)
    h = gamma_ref[...] * (hp - mean) / jnp.sqrt(var + BN_EPS) + beta_ref[...]
    h = jnp.maximum(h, 0.0)
    h2 = jnp.dot(h, W_ref[...],
                 preferred_element_type=jnp.float32) + b_ref[...]
    m_ref[:N, :] = dis[:, None] * jnp.maximum(h2, 0.0)
    m_ref[N:, :] = jnp.zeros((NP - N, D), jnp.float32)
    t2_ref[...] = jnp.maximum(h2 + root_ref[...], 0.0) / deg_ref[...][:, None]


def _tc_final(s_ref, t_ref, dis_ref, gamma_ref, beta_ref, out_ref):
    dis = dis_ref[...]
    hp = dis[:, None] * (s_ref[0, :N, :] + s_ref[1, :N, :]) + t_ref[...]
    mean = jnp.mean(hp, axis=0)
    var = jnp.mean((hp - mean) ** 2, axis=0)
    out_ref[...] = (gamma_ref[...] * (hp - mean) / jnp.sqrt(var + BN_EPS)
                    + beta_ref[...])


_f32 = jnp.float32
_nd = jax.ShapeDtypeStruct((N, D), _f32)
_npd = jax.ShapeDtypeStruct((NP, D), _f32)
_n1 = jax.ShapeDtypeStruct((N,), _f32)

_tc_first_call = pl.pallas_call(_tc_first, out_shape=[_npd, _nd, _n1, _n1])
_tc_mid_call = pl.pallas_call(_tc_mid, out_shape=[_npd, _nd])
_tc_final_call = pl.pallas_call(_tc_final, out_shape=_nd)


def kernel(x, params, edge_index):
    row = edge_index[0].astype(jnp.int32)
    col = edge_index[1].astype(jnp.int32)
    pad = N + (jnp.arange(EPAD - E, dtype=jnp.int32) % (NP - N))
    row2 = jnp.concatenate([row, pad]).reshape(NW, EPW)
    row3 = row2.reshape(NW, DNCH, DC)
    col3 = jnp.concatenate([col, pad]).reshape(NW, NCH, C)
    zeros_d = jnp.zeros((RPT, D), _f32)
    zeros_1 = jnp.zeros((RPT,), _f32)
    ones_1 = jnp.ones((DC,), _f32)

    sc_scatter, sc_degree = _build_sc_kernels()
    layers = params['layers']
    degp = sc_degree(row3, ones_1, zeros_1)
    m, t, dis, deg = _tc_first_call(
        x, params['atom_W'], params['atom_b'],
        layers[0]['W'], layers[0]['b'], layers[0]['root'], degp)
    for l in range(NUM_LAYERS):
        s = sc_scatter(m, row2, col3, zeros_d)
        lp = layers[l]
        if l < NUM_LAYERS - 1:
            nxt = layers[l + 1]
            m, t = _tc_mid_call(s, t, dis, deg, lp['gamma'], lp['beta'],
                                nxt['W'], nxt['b'], nxt['root'])
        else:
            return _tc_final_call(s, t, dis, lp['gamma'], lp['beta'])

# --- scband reference (transcript-rebuilt; emitter-appended) ---
"""Pipeline reference for scband-gnn-18459769438283 (READ-ONLY COPY).

The authoritative reference and input builder live on the scoring server;
editing this copy changes nothing except your own understanding.
"""

import jax, jax.numpy as jnp
import numpy as np

N_NODES = 10000
N_EDGES = 320000
D = 128
NUM_LAYERS = 3
BN_EPS = 1e-5


def setup_inputs(seed: int = 0) -> dict:
    key = jax.random.key(seed)
    ks = jax.random.split(key, 4 + NUM_LAYERS * 5)
    x = jax.random.normal(ks[0], (N_NODES, D), dtype=jnp.float32)
    edge_index = jax.random.randint(ks[1], (2, N_EDGES), 0, N_NODES, dtype=jnp.int64)
    params = {
        'atom_W': jax.random.normal(ks[2], (D, D), dtype=jnp.float32) * 0.05,
        'atom_b': jnp.zeros((D,), dtype=jnp.float32),
        'layers': [],
    }
    for l in range(NUM_LAYERS):
        base = 4 + l * 5
        params['layers'].append({
            'W': jax.random.normal(ks[base], (D, D), dtype=jnp.float32) * 0.05,
            'b': jnp.zeros((D,), dtype=jnp.float32),
            'root': jax.random.normal(ks[base + 1], (1, D), dtype=jnp.float32) * 0.05,
            'gamma': jnp.ones((D,), dtype=jnp.float32),
            'beta': jnp.zeros((D,), dtype=jnp.float32),
        })
    return {'x': x, 'params': params, 'edge_index': edge_index}


def _gcn_layer(h, lp, row, col, n_nodes):
    # h = self.linear(x)
    h = h @ lp['W'] + lp['b']
    # deg = degree(row, N) + 1
    deg = jax.ops.segment_sum(jnp.ones(row.shape[0], h.dtype), row, num_segments=n_nodes) + 1.0
    deg_inv_sqrt = deg ** -0.5  # deg >= 1, no inf
    norm = deg_inv_sqrt[row] * deg_inv_sqrt[col]
    # message: norm * relu(x_j)  (x_j gathered from source=row), aggr='add' at target=col
    msg = norm[:, None] * jax.nn.relu(jnp.take(h, row, axis=0))
    agg = jax.ops.segment_sum(msg, col, num_segments=n_nodes)
    # + relu(x + root_emb) / deg
    return agg + jax.nn.relu(h + lp['root']) / deg[:, None]


def _batch_norm_train(h, gamma, beta):
    mean = jnp.mean(h, axis=0)
    var = jnp.mean((h - mean) ** 2, axis=0)  # biased, like torch BN training
    return gamma * (h - mean) / jnp.sqrt(var + BN_EPS) + beta


def reference(x, params, edge_index):
    row = edge_index[0]
    col = edge_index[1]
    n_nodes = x.shape[0]
    # atom_encoder (line-graph node representation approximated as linear projection)
    h = x @ params['atom_W'] + params['atom_b']
    for l in range(NUM_LAYERS):
        lp = params['layers'][l]
        h = _gcn_layer(h, lp, row, col, n_nodes)
        h = _batch_norm_train(h, lp['gamma'], lp['beta'])
        if l < NUM_LAYERS - 1:
            h = jax.nn.relu(h)
        # dropout with drop_ratio=0.0 is identity
    return h  # JK='last'

if __name__ == "__main__":
    import jax
    _d = setup_inputs()
    print(jax.jit(kernel)(*tuple(_d.values())))

</pallas_src>

<mosaic_0001>
#map = affine_map<(d0, d1) -> (0, 0)>
#map1 = affine_map<(d0, d1) -> (0, 0, 0)>
module attributes {stable_mosaic.version = 14 : i64} {
  func.func @sc_scatter(%arg0: i32, %arg1: i32, %arg2: memref<10240x128xf32, #tpu.memory_space<hbm>>, %arg3: memref<32x10240xi32, #tpu.memory_space<hbm>>, %arg4: memref<32x128x80xi32, #tpu.memory_space<hbm>>, %arg5: memref<640x128xf32, #tpu.memory_space<hbm>>, %arg6: memref<2x10240x128xf32, #tpu.memory_space<hbm>>, %arg7: memref<10240xi32, #tpu.memory_space<vmem>>, %arg8: memref<128x80xi32, #tpu.memory_space<vmem>>, %arg9: memref<80x128xf32, #tpu.memory_space<vmem>>, %arg10: memref<80x128xf32, #tpu.memory_space<vmem>>, %arg11: memref<10240x128xf32, #tpu.memory_space<vmem_shared>>, %arg12: memref<!tpu.dma_semaphore, #tpu.memory_space<semaphore_mem>>, %arg13: memref<!tpu.dma_semaphore, #tpu.memory_space<semaphore_mem>>) attributes {dimension_semantics = [#tpu.dimension_semantics<core_parallel>, #tpu.dimension_semantics<subcore_parallel>], iteration_bounds = array<i64: 2, 16>, scalar_prefetch = 0 : i64, scratch_operands = 7 : i64, tpu.core_type = #tpu.core_type<sc_vector_subcore>, window_params = [{transform_indices = #map}, {transform_indices = #map}, {transform_indices = #map1}, {transform_indices = #map}, {transform_indices = #map1}]} {
    %mul3A = arith.constant 2 : i32
    %mul3A_0 = arith.muli %arg1, %mul3A : i32
    %add3A = arith.addi %mul3A_0, %arg0 : i32
    %mul3A_1 = arith.constant 640 : i32
    %mul3A_2 = arith.muli %arg1, %mul3A_1 : i32
    %dma_start3A = arith.constant 0 : i32
    %dma_start3A_3 = tpu.memref_slice %arg11[%mul3A_2, %dma_start3A] : memref<10240x128xf32, #tpu.memory_space<vmem_shared>> -> memref<640x128xf32, #tpu.memory_space<vmem_shared>>
    tpu.enqueue_dma source(%arg5 : memref<640x128xf32, #tpu.memory_space<hbm>>) target(%dma_start3A_3 : memref<640x128xf32, #tpu.memory_space<vmem_shared>>) target_semaphore(%arg12 : memref<!tpu.dma_semaphore, #tpu.memory_space<semaphore_mem>>)
    %dma_start3A_4 = arith.constant 0 : i32
    %dma_start3A_5 = tpu.memref_slice %arg3[%add3A, %dma_start3A_4] : memref<32x10240xi32, #tpu.memory_space<hbm>> -> memref<1x10240xi32, #tpu.memory_space<hbm>>
    %dma_start3A_6 = tpu.memref_squeeze %dma_start3A_5 : memref<1x10240xi32, #tpu.memory_space<hbm>> -> memref<10240xi32, #tpu.memory_space<hbm>>
    %dma_start3A_7 = arith.constant 0 : i32
    %dma_start3A_8 = tpu.memref_slice %arg3[%add3A, %dma_start3A_7] : memref<32x10240xi32, #tpu.memory_space<hbm>> -> memref<1x10240xi32, #tpu.memory_space<hbm>>
    %dma_start3A_9 = tpu.memref_squeeze %dma_start3A_8 : memref<1x10240xi32, #tpu.memory_space<hbm>> -> memref<10240xi32, #tpu.memory_space<hbm>>
    tpu.enqueue_dma source(%dma_start3A_9 : memref<10240xi32, #tpu.memory_space<hbm>>) target(%arg7 : memref<10240xi32, #tpu.memory_space<vmem>>) target_semaphore(%arg13 : memref<!tpu.dma_semaphore, #tpu.memory_space<semaphore_mem>>)
    %dma_start3A_10 = arith.constant 0 : i32
    %dma_start3A_11 = arith.constant 0 : i32
    %dma_start3A_12 = tpu.memref_slice %arg4[%add3A, %dma_start3A_10, %dma_start3A_11] : memref<32x128x80xi32, #tpu.memory_space<hbm>> -> memref<1x128x80xi32, #tpu.memory_space<hbm>>
    %dma_start3A_13 = tpu.memref_squeeze %dma_start3A_12 : memref<1x128x80xi32, #tpu.memory_space<hbm>> -> memref<128x80xi32, #tpu.memory_space<hbm>>
    %dma_start3A_14 = arith.constant 0 : i32
    %dma_start3A_15 = arith.constant 0 : i32
    %dma_start3A_16 = tpu.memref_slice %arg4[%add3A, %dma_start3A_14, %dma_start3A_15] : memref<32x128x80xi32, #tpu.memory_space<hbm>> -> memref<1x128x80xi32, #tpu.memory_space<hbm>>
    %dma_start3A_17 = tpu.memref_squeeze %dma_start3A_16 : memref<1x128x80xi32, #tpu.memory_space<hbm>> -> memref<128x80xi32, #tpu.memory_space<hbm>>
    tpu.enqueue_dma source(%dma_start3A_17 : memref<128x80xi32, #tpu.memory_space<hbm>>) target(%arg8 : memref<128x80xi32, #tpu.memory_space<vmem>>) target_semaphore(%arg13 : memref<!tpu.dma_semaphore, #tpu.memory_space<semaphore_mem>>)
    %mul3A_18 = arith.constant 640 : i32
    %mul3A_19 = arith.muli %arg1, %mul3A_18 : i32
    %dma_wait3A = arith.constant 0 : i32
    %dma_wait3A_20 = tpu.memref_slice %arg11[%mul3A_19, %dma_wait3A] : memref<10240x128xf32, #tpu.memory_space<vmem_shared>> -> memref<640x128xf32, #tpu.memory_space<vmem_shared>>
    tpu.wait_dma2 semaphore(%arg12 : memref<!tpu.dma_semaphore, #tpu.memory_space<semaphore_mem>>) src(%arg5 : memref<640x128xf32, #tpu.memory_space<hbm>>) dst(%dma_wait3A_20 : memref<640x128xf32, #tpu.memory_space<vmem_shared>>)
    %dma_wait3A_21 = arith.constant 0 : i32
    %dma_wait3A_22 = tpu.memref_slice %arg3[%add3A, %dma_wait3A_21] : memref<32x10240xi32, #tpu.memory_space<hbm>> -> memref<1x10240xi32, #tpu.memory_space<hbm>>
    %dma_wait3A_23 = tpu.memref_squeeze %dma_wait3A_22 : memref<1x10240xi32, #tpu.memory_space<hbm>> -> memref<10240xi32, #tpu.memory_space<hbm>>
    %dma_wait3A_24 = arith.constant 0 : i32
    %dma_wait3A_25 = tpu.memref_slice %arg3[%add3A, %dma_wait3A_24] : memref<32x10240xi32, #tpu.memory_space<hbm>> -> memref<1x10240xi32, #tpu.memory_space<hbm>>
    %dma_wait3A_26 = tpu.memref_squeeze %dma_wait3A_25 : memref<1x10240xi32, #tpu.memory_space<hbm>> -> memref<10240xi32, #tpu.memory_space<hbm>>
    tpu.wait_dma2 semaphore(%arg13 : memref<!tpu.dma_semaphore, #tpu.memory_space<semaphore_mem>>) src(%dma_wait3A_26 : memref<10240xi32, #tpu.memory_space<hbm>>) dst(%arg7 : memref<10240xi32, #tpu.memory_space<vmem>>)
    %dma_wait3A_27 = arith.constant 0 : i32
    %dma_wait3A_28 = arith.constant 0 : i32
    %dma_wait3A_29 = tpu.memref_slice %arg4[%add3A, %dma_wait3A_27, %dma_wait3A_28] : memref<32x128x80xi32, #tpu.memory_space<hbm>> -> memref<1x128x80xi32, #tpu.memory_space<hbm>>
    %dma_wait3A_30 = tpu.memref_squeeze %dma_wait3A_29 : memref<1x128x80xi32, #tpu.memory_space<hbm>> -> memref<128x80xi32, #tpu.memory_space<hbm>>
    %dma_wait3A_31 = arith.constant 0 : i32
    %dma_wait3A_32 = arith.constant 0 : i32
    %dma_wait3A_33 = tpu.memref_slice %arg4[%add3A, %dma_wait3A_31, %dma_wait3A_32] : memref<32x128x80xi32, #tpu.memory_space<hbm>> -> memref<1x128x80xi32, #tpu.memory_space<hbm>>
    %dma_wait3A_34 = tpu.memref_squeeze %dma_wait3A_33 : memref<1x128x80xi32, #tpu.memory_space<hbm>> -> memref<128x80xi32, #tpu.memory_space<hbm>>
    tpu.wait_dma2 semaphore(%arg13 : memref<!tpu.dma_semaphore, #tpu.memory_space<semaphore_mem>>) src(%dma_wait3A_34 : memref<128x80xi32, #tpu.memory_space<hbm>>) dst(%arg8 : memref<128x80xi32, #tpu.memory_space<vmem>>)
    %barrier3A = arith.constant 0 : index
    tpu.barrier barrier_id(%barrier3A)
    %dma_start3A_35 = arith.constant 0 : i32
    %dma_start3A_36 = tpu.memref_slice %arg7[%dma_start3A_35] : memref<10240xi32, #tpu.memory_space<vmem>> -> memref<80xi32, #tpu.memory_space<vmem>>
    %dma_start3A_37 = arith.constant 0 : i32
    %dma_start3A_38 = arith.constant 0 : i32
    %dma_start3A_39 = tpu.memref_slice %arg2[%dma_start3A_37, %dma_start3A_38] : memref<10240x128xf32, #tpu.memory_space<hbm>> -> memref<10240x128xf32, #tpu.memory_space<hbm>>
    tpu.enqueue_indirect_dma source(%dma_start3A_39 : memref<10240x128xf32, #tpu.memory_space<hbm>>) target(%arg9 : memref<80x128xf32, #tpu.memory_space<vmem>>) offsets(%dma_start3A_36 : memref<80xi32, #tpu.memory_space<vmem>>) semaphore(%arg12 : memref<!tpu.dma_semaphore, #tpu.memory_space<semaphore_mem>>)
    %scan3A = arith.constant 0 : i32
    %scan3A_40 = arith.constant 0 : i32
    %scan3A_41 = arith.constant 64 : i32
    %scan3A_42 = arith.addi %scan3A_40, %scan3A_41 : i32
    %scan3A_43 = arith.constant 1 : i32
    scf.for %scan3A_55 = %scan3A_40 to %scan3A_42 step %scan3A_43  : i32 {
      %mul3A_56 = arith.constant 2 : i32
      %mul3A_57 = arith.muli %mul3A_56, %scan3A_55 : i32
      %mul3A_58 = arith.constant 2 : i32
      %mul3A_59 = arith.muli %mul3A_58, %scan3A_55 : i32
      %add3A_60 = arith.constant 1 : i32
      %add3A_61 = arith.addi %mul3A_59, %add3A_60 : i32
      %add3A_62 = arith.constant 1 : i32
      %add3A_63 = arith.addi %add3A_61, %add3A_62 : i32
      %min3A = arith.constant 127 : i32
      %min3A_64 = arith.minsi %add3A_63, %min3A : i32
      %mul3A_65 = arith.constant 80 : i32
      %mul3A_66 = arith.muli %mul3A_57, %mul3A_65 : i32
      %dma_wait3A_67 = tpu.memref_slice %arg7[%mul3A_66] : memref<10240xi32, #tpu.memory_space<vmem>> -> memref<80xi32, #tpu.memory_space<vmem>>
      %dma_wait3A_68 = arith.constant 0 : i32
      %dma_wait3A_69 = arith.constant 0 : i32
      %dma_wait3A_70 = tpu.memref_slice %arg2[%dma_wait3A_68, %dma_wait3A_69] : memref<10240x128xf32, #tpu.memory_space<hbm>> -> memref<10240x128xf32, #tpu.memory_space<hbm>>
      tpu.wait_indirect_dma semaphore(%arg12 : memref<!tpu.dma_semaphore, #tpu.memory_space<semaphore_mem>>) src(%dma_wait3A_70 : memref<10240x128xf32, #tpu.memory_space<hbm>>) dst(%arg9 : memref<80x128xf32, #tpu.memory_space<vmem>>)
      %mul3A_71 = arith.constant 80 : i32
      %mul3A_72 = arith.muli %add3A_61, %mul3A_71 : i32
      %dma_start3A_73 = tpu.memref_slice %arg7[%mul3A_72] : memref<10240xi32, #tpu.memory_space<vmem>> -> memref<80xi32, #tpu.memory_space<vmem>>
      %dma_start3A_74 = arith.constant 0 : i32
      %dma_start3A_75 = arith.constant 0 : i32
      %dma_start3A_76 = tpu.memref_slice %arg2[%dma_start3A_74, %dma_start3A_75] : memref<10240x128xf32, #tpu.memory_space<hbm>> -> memref<10240x128xf32, #tpu.memory_space<hbm>>
      tpu.enqueue_indirect_dma source(%dma_start3A_76 : memref<10240x128xf32, #tpu.memory_space<hbm>>) target(%arg10 : memref<80x128xf32, #tpu.memory_space<vmem>>) offsets(%dma_start3A_73 : memref<80xi32, #tpu.memory_space<vmem>>) semaphore(%arg13 : memref<!tpu.dma_semaphore, #tpu.memory_space<semaphore_mem>>)
      "tpu.region"() ({
        %run_scoped3A = tpu.sem_alloc : memref<!tpu.dma_semaphore, #tpu.memory_space<semaphore_mem>>
        %dma_start3A_89 = arith.constant 0 : i32
        %dma_start3A_90 = tpu.memref_slice %arg8[%mul3A_57, %dma_start3A_89] : memref<128x80xi32, #tpu.memory_space<vmem>> -> memref<1x80xi32, #tpu.memory_space<vmem>>
        %dma_start3A_91 = tpu.memref_squeeze %dma_start3A_90 : memref<1x80xi32, #tpu.memory_space<vmem>> -> memref<80xi32, #tpu.memory_space<vmem>>
        %dma_start3A_92 = arith.constant 0 : i32
        %dma_start3A_93 = arith.constant 0 : i32
        %dma_start3A_94 = tpu.memref_slice %arg11[%dma_start3A_92, %dma_start3A_93] : memref<10240x128xf32, #tpu.memory_space<vmem_shared>> -> memref<10240x128xf32, #tpu.memory_space<vmem_shared>>
        tpu.enqueue_indirect_dma source(%arg9 : memref<80x128xf32, #tpu.memory_space<vmem>>) target(%dma_start3A_94 : memref<10240x128xf32, #tpu.memory_space<vmem_shared>>) offsets(%dma_start3A_91 : memref<80xi32, #tpu.memory_space<vmem>>) semaphore(%run_scoped3A : memref<!tpu.dma_semaphore, #tpu.memory_space<semaphore_mem>>) {add = true}
        %dma_wait3A_95 = arith.constant 0 : i32
        %dma_wait3A_96 = tpu.memref_slice %arg8[%mul3A_57, %dma_wait3A_95] : memref<128x80xi32, #tpu.memory_space<vmem>> -> memref<1x80xi32, #tpu.memory_space<vmem>>
        %dma_wait3A_97 = tpu.memref_squeeze %dma_wait3A_96 : memref<1x80xi32, #tpu.memory_space<vmem>> -> memref<80xi32, #tpu.memory_space<vmem>>
        %dma_wait3A_98 = arith.constant 0 : i32
        %dma_wait3A_99 = arith.constant 0 : i32
        %dma_wait3A_100 = tpu.memref_slice %arg11[%dma_wait3A_98, %dma_wait3A_99] : memref<10240x128xf32, #tpu.memory_space<vmem_shared>> -> memref<10240x128xf32, #tpu.memory_space<vmem_shared>>
        tpu.wait_indirect_dma semaphore(%run_scoped3A : memref<!tpu.dma_semaphore, #tpu.memory_space<semaphore_mem>>) src(%arg9 : memref<80x128xf32, #tpu.memory_space<vmem>>) dst(%dma_wait3A_100 : memref<10240x128xf32, #tpu.memory_space<vmem_shared>>)
        tpu.yield
      }) : () -> ()
      %mul3A_77 = arith.constant 80 : i32
      %mul3A_78 = arith.muli %add3A_61, %mul3A_77 : i32
      %dma_wait3A_79 = tpu.memref_slice %arg7[%mul3A_78] : memref<10240xi32, #tpu.memory_space<vmem>> -> memref<80xi32, #tpu.memory_space<vmem>>
      %dma_wait3A_80 = arith.constant 0 : i32
      %dma_wait3A_81 = arith.constant 0 : i32
      %dma_wait3A_82 = tpu.memref_slice %arg2[%dma_wait3A_80, %dma_wait3A_81] : memref<10240x128xf32, #tpu.memory_space<hbm>> -> memref<10240x128xf32, #tpu.memory_space<hbm>>
      tpu.wait_indirect_dma semaphore(%arg13 : memref<!tpu.dma_semaphore, #tpu.memory_space<semaphore_mem>>) src(%dma_wait3A_82 : memref<10240x128xf32, #tpu.memory_space<hbm>>) dst(%arg10 : memref<80x128xf32, #tpu.memory_space<vmem>>)
      %mul3A_83 = arith.constant 80 : i32
      %mul3A_84 = arith.muli %min3A_64, %mul3A_83 : i32
      %dma_start3A_85 = tpu.memref_slice %arg7[%mul3A_84] : memref<10240xi32, #tpu.memory_space<vmem>> -> memref<80xi32, #tpu.memory_space<vmem>>
      %dma_start3A_86 = arith.constant 0 : i32
      %dma_start3A_87 = arith.constant 0 : i32
      %dma_start3A_88 = tpu.memref_slice %arg2[%dma_start3A_86, %dma_start3A_87] : memref<10240x128xf32, #tpu.memory_space<hbm>> -> memref<10240x128xf32, #tpu.memory_space<hbm>>
      tpu.enqueue_indirect_dma source(%dma_start3A_88 : memref<10240x128xf32, #tpu.memory_space<hbm>>) target(%arg9 : memref<80x128xf32, #tpu.memory_space<vmem>>) offsets(%dma_start3A_85 : memref<80xi32, #tpu.memory_space<vmem>>) semaphore(%arg12 : memref<!tpu.dma_semaphore, #tpu.memory_space<semaphore_mem>>)
      "tpu.region"() ({
        %run_scoped3A = tpu.sem_alloc : memref<!tpu.dma_semaphore, #tpu.memory_space<semaphore_mem>>
        %dma_start3A_89 = arith.constant 0 : i32
        %dma_start3A_90 = tpu.memref_slice %arg8[%add3A_61, %dma_start3A_89] : memref<128x80xi32, #tpu.memory_space<vmem>> -> memref<1x80xi32, #tpu.memory_space<vmem>>
        %dma_start3A_91 = tpu.memref_squeeze %dma_start3A_90 : memref<1x80xi32, #tpu.memory_space<vmem>> -> memref<80xi32, #tpu.memory_space<vmem>>
        %dma_start3A_92 = arith.constant 0 : i32
        %dma_start3A_93 = arith.constant 0 : i32
        %dma_start3A_94 = tpu.memref_slice %arg11[%dma_start3A_92, %dma_start3A_93] : memref<10240x128xf32, #tpu.memory_space<vmem_shared>> -> memref<10240x128xf32, #tpu.memory_space<vmem_shared>>
        tpu.enqueue_indirect_dma source(%arg10 : memref<80x128xf32, #tpu.memory_space<vmem>>) target(%dma_start3A_94 : memref<10240x128xf32, #tpu.memory_space<vmem_shared>>) offsets(%dma_start3A_91 : memref<80xi32, #tpu.memory_space<vmem>>) semaphore(%run_scoped3A : memref<!tpu.dma_semaphore, #tpu.memory_space<semaphore_mem>>) {add = true}
        %dma_wait3A_95 = arith.constant 0 : i32
        %dma_wait3A_96 = tpu.memref_slice %arg8[%add3A_61, %dma_wait3A_95] : memref<128x80xi32, #tpu.memory_space<vmem>> -> memref<1x80xi32, #tpu.memory_space<vmem>>
        %dma_wait3A_97 = tpu.memref_squeeze %dma_wait3A_96 : memref<1x80xi32, #tpu.memory_space<vmem>> -> memref<80xi32, #tpu.memory_space<vmem>>
        %dma_wait3A_98 = arith.constant 0 : i32
        %dma_wait3A_99 = arith.constant 0 : i32
        %dma_wait3A_100 = tpu.memref_slice %arg11[%dma_wait3A_98, %dma_wait3A_99] : memref<10240x128xf32, #tpu.memory_space<vmem_shared>> -> memref<10240x128xf32, #tpu.memory_space<vmem_shared>>
        tpu.wait_indirect_dma semaphore(%run_scoped3A : memref<!tpu.dma_semaphore, #tpu.memory_space<semaphore_mem>>) src(%arg10 : memref<80x128xf32, #tpu.memory_space<vmem>>) dst(%dma_wait3A_100 : memref<10240x128xf32, #tpu.memory_space<vmem_shared>>)
        tpu.yield
      }) : () -> ()
    }
    %scan3A_44 = arith.constant 64 : i32
    %dma_wait3A_45 = arith.constant 0 : i32
    %dma_wait3A_46 = tpu.memref_slice %arg7[%dma_wait3A_45] : memref<10240xi32, #tpu.memory_space<vmem>> -> memref<80xi32, #tpu.memory_space<vmem>>
    %dma_wait3A_47 = arith.constant 0 : i32
    %dma_wait3A_48 = arith.constant 0 : i32
    %dma_wait3A_49 = tpu.memref_slice %arg2[%dma_wait3A_47, %dma_wait3A_48] : memref<10240x128xf32, #tpu.memory_space<hbm>> -> memref<10240x128xf32, #tpu.memory_space<hbm>>
    tpu.wait_indirect_dma semaphore(%arg12 : memref<!tpu.dma_semaphore, #tpu.memory_space<semaphore_mem>>) src(%dma_wait3A_49 : memref<10240x128xf32, #tpu.memory_space<hbm>>) dst(%arg9 : memref<80x128xf32, #tpu.memory_space<vmem>>)
    %barrier3A_50 = arith.constant 0 : index
    tpu.barrier barrier_id(%barrier3A_50)
    %mul3A_51 = arith.constant 640 : i32
    %mul3A_52 = arith.muli %arg1, %mul3A_51 : i32
    %mul3A_53 = arith.constant 640 : i32
    %mul3A_54 = arith.muli %arg1, %mul3A_53 : i32
    "tpu.region"() ({
      %run_scoped3A = tpu.sem_alloc : memref<!tpu.dma_semaphore, #tpu.memory_space<semaphore_mem>>
      %dma_start3A_55 = arith.constant 0 : i32
      %dma_start3A_56 = tpu.memref_slice %arg6[%arg0, %mul3A_54, %dma_start3A_55] : memref<2x10240x128xf32, #tpu.memory_space<hbm>> -> memref<1x640x128xf32, #tpu.memory_space<hbm>>
      %dma_start3A_57 = tpu.memref_squeeze %dma_start3A_56 : memref<1x640x128xf32, #tpu.memory_space<hbm>> -> memref<640x128xf32, #tpu.memory_space<hbm>>
      %dma_start3A_58 = arith.constant 0 : i32
      %dma_start3A_59 = tpu.memref_slice %arg11[%mul3A_52, %dma_start3A_58] : memref<10240x128xf32, #tpu.memory_space<vmem_shared>> -> memref<640x128xf32, #tpu.memory_space<vmem_shared>>
      tpu.enqueue_dma source(%dma_start3A_59 : memref<640x128xf32, #tpu.memory_space<vmem_shared>>) target(%dma_start3A_57 : memref<640x128xf32, #tpu.memory_space<hbm>>) target_semaphore(%run_scoped3A : memref<!tpu.dma_semaphore, #tpu.memory_space<semaphore_mem>>)
      %dma_wait3A_60 = arith.constant 0 : i32
      %dma_wait3A_61 = tpu.memref_slice %arg6[%arg0, %mul3A_54, %dma_wait3A_60] : memref<2x10240x128xf32, #tpu.memory_space<hbm>> -> memref<1x640x128xf32, #tpu.memory_space<hbm>>
      %dma_wait3A_62 = tpu.memref_squeeze %dma_wait3A_61 : memref<1x640x128xf32, #tpu.memory_space<hbm>> -> memref<640x128xf32, #tpu.memory_space<hbm>>
      %dma_wait3A_63 = arith.constant 0 : i32
      %dma_wait3A_64 = tpu.memref_slice %arg11[%mul3A_52, %dma_wait3A_63] : memref<10240x128xf32, #tpu.memory_space<vmem_shared>> -> memref<640x128xf32, #tpu.memory_space<vmem_shared>>
      tpu.wait_dma2 semaphore(%run_scoped3A : memref<!tpu.dma_semaphore, #tpu.memory_space<semaphore_mem>>) src(%dma_wait3A_64 : memref<640x128xf32, #tpu.memory_space<vmem_shared>>) dst(%dma_wait3A_62 : memref<640x128xf32, #tpu.memory_space<hbm>>)
      tpu.yield
    }) : () -> ()
    return
  }
}

#map = affine_map<(d0, d1) -> (0, 0, 0)>
#map1 = affine_map<(d0, d1) -> (0)>
#map2 = affine_map<(d0, d1) -> (0, 0)>
module attributes {stable_mosaic.version = 14 : i64} {
  func.func @sc_degree(%arg0: i32, %arg1: i32, %arg2: memref<32x80x128xi32, #tpu.memory_space<hbm>>, %arg3: memref<128xf32, #tpu.memory_space<hbm>>, %arg4: memref<640xf32, #tpu.memory_space<hbm>>, %arg5: memref<2x10240xf32, #tpu.memory_space<hbm>>, %arg6: memref<80x128xi32, #tpu.memory_space<vmem>>, %arg7: memref<128xf32, #tpu.memory_space<vmem>>, %arg8: memref<10240xf32, #tpu.memory_space<vmem_shared>>) attributes {dimension_semantics = [#tpu.dimension_semantics<core_parallel>, #tpu.dimension_semantics<subcore_parallel>], iteration_bounds = array<i64: 2, 16>, scalar_prefetch = 0 : i64, scratch_operands = 3 : i64, tpu.core_type = #tpu.core_type<sc_vector_subcore>, window_params = [{transform_indices = #map}, {transform_indices = #map1}, {transform_indices = #map1}, {transform_indices = #map2}]} {
    %mul3A = arith.constant 2 : i32
    %mul3A_0 = arith.muli %arg1, %mul3A : i32
    %add3A = arith.addi %mul3A_0, %arg0 : i32
    %mul3A_1 = arith.constant 640 : i32
    %mul3A_2 = arith.muli %arg1, %mul3A_1 : i32
    "tpu.region"() ({
      %run_scoped3A = tpu.sem_alloc : memref<!tpu.dma_semaphore, #tpu.memory_space<semaphore_mem>>
      %dma_start3A = tpu.memref_slice %arg8[%mul3A_2] : memref<10240xf32, #tpu.memory_space<vmem_shared>> -> memref<640xf32, #tpu.memory_space<vmem_shared>>
      tpu.enqueue_dma source(%arg4 : memref<640xf32, #tpu.memory_space<hbm>>) target(%dma_start3A : memref<640xf32, #tpu.memory_space<vmem_shared>>) target_semaphore(%run_scoped3A : memref<!tpu.dma_semaphore, #tpu.memory_space<semaphore_mem>>)
      %dma_wait3A = tpu.memref_slice %arg8[%mul3A_2] : memref<10240xf32, #tpu.memory_space<vmem_shared>> -> memref<640xf32, #tpu.memory_space<vmem_shared>>
      tpu.wait_dma2 semaphore(%run_scoped3A : memref<!tpu.dma_semaphore, #tpu.memory_space<semaphore_mem>>) src(%arg4 : memref<640xf32, #tpu.memory_space<hbm>>) dst(%dma_wait3A : memref<640xf32, #tpu.memory_space<vmem_shared>>)
      tpu.yield
    }) : () -> ()
    "tpu.region"() ({
      %run_scoped3A = tpu.sem_alloc : memref<!tpu.dma_semaphore, #tpu.memory_space<semaphore_mem>>
      %dma_start3A = arith.constant 0 : i32
      %dma_start3A_13 = arith.constant 0 : i32
      %dma_start3A_14 = tpu.memref_slice %arg2[%add3A, %dma_start3A, %dma_start3A_13] : memref<32x80x128xi32, #tpu.memory_space<hbm>> -> memref<1x80x128xi32, #tpu.memory_space<hbm>>
      %dma_start3A_15 = tpu.memref_squeeze %dma_start3A_14 : memref<1x80x128xi32, #tpu.memory_space<hbm>> -> memref<80x128xi32, #tpu.memory_space<hbm>>
      %dma_start3A_16 = arith.constant 0 : i32
      %dma_start3A_17 = arith.constant 0 : i32
      %dma_start3A_18 = tpu.memref_slice %arg2[%add3A, %dma_start3A_16, %dma_start3A_17] : memref<32x80x128xi32, #tpu.memory_space<hbm>> -> memref<1x80x128xi32, #tpu.memory_space<hbm>>
      %dma_start3A_19 = tpu.memref_squeeze %dma_start3A_18 : memref<1x80x128xi32, #tpu.memory_space<hbm>> -> memref<80x128xi32, #tpu.memory_space<hbm>>
      tpu.enqueue_dma source(%dma_start3A_19 : memref<80x128xi32, #tpu.memory_space<hbm>>) target(%arg6 : memref<80x128xi32, #tpu.memory_space<vmem>>) target_semaphore(%run_scoped3A : memref<!tpu.dma_semaphore, #tpu.memory_space<semaphore_mem>>)
      %dma_wait3A = arith.constant 0 : i32
      %dma_wait3A_20 = arith.constant 0 : i32
      %dma_wait3A_21 = tpu.memref_slice %arg2[%add3A, %dma_wait3A, %dma_wait3A_20] : memref<32x80x128xi32, #tpu.memory_space<hbm>> -> memref<1x80x128xi32, #tpu.memory_space<hbm>>
      %dma_wait3A_22 = tpu.memref_squeeze %dma_wait3A_21 : memref<1x80x128xi32, #tpu.memory_space<hbm>> -> memref<80x128xi32, #tpu.memory_space<hbm>>
      %dma_wait3A_23 = arith.constant 0 : i32
      %dma_wait3A_24 = arith.constant 0 : i32
      %dma_wait3A_25 = tpu.memref_slice %arg2[%add3A, %dma_wait3A_23, %dma_wait3A_24] : memref<32x80x128xi32, #tpu.memory_space<hbm>> -> memref<1x80x128xi32, #tpu.memory_space<hbm>>
      %dma_wait3A_26 = tpu.memref_squeeze %dma_wait3A_25 : memref<1x80x128xi32, #tpu.memory_space<hbm>> -> memref<80x128xi32, #tpu.memory_space<hbm>>
      tpu.wait_dma2 semaphore(%run_scoped3A : memref<!tpu.dma_semaphore, #tpu.memory_space<semaphore_mem>>) src(%dma_wait3A_26 : memref<80x128xi32, #tpu.memory_space<hbm>>) dst(%arg6 : memref<80x128xi32, #tpu.memory_space<vmem>>)
      tpu.yield
    }) : () -> ()
    "tpu.region"() ({
      %run_scoped3A = tpu.sem_alloc : memref<!tpu.dma_semaphore, #tpu.memory_space<semaphore_mem>>
      tpu.enqueue_dma source(%arg3 : memref<128xf32, #tpu.memory_space<hbm>>) target(%arg7 : memref<128xf32, #tpu.memory_space<vmem>>) target_semaphore(%run_scoped3A : memref<!tpu.dma_semaphore, #tpu.memory_space<semaphore_mem>>)
      tpu.wait_dma2 semaphore(%run_scoped3A : memref<!tpu.dma_semaphore, #tpu.memory_space<semaphore_mem>>) src(%arg3 : memref<128xf32, #tpu.memory_space<hbm>>) dst(%arg7 : memref<128xf32, #tpu.memory_space<vmem>>)
      tpu.yield
    }) : () -> ()
    %barrier3A = arith.constant 0 : index
    tpu.barrier barrier_id(%barrier3A)
    %scan3A = arith.constant 0 : i32
    %scan3A_3 = arith.constant 0 : i32
    %scan3A_4 = arith.constant 80 : i32
    %scan3A_5 = arith.addi %scan3A_3, %scan3A_4 : i32
    %scan3A_6 = arith.constant 1 : i32
    scf.for %scan3A_13 = %scan3A_3 to %scan3A_5 step %scan3A_6  : i32 {
      "tpu.region"() ({
        %run_scoped3A = tpu.sem_alloc : memref<!tpu.dma_semaphore, #tpu.memory_space<semaphore_mem>>
        %dma_start3A = arith.constant 0 : i32
        %dma_start3A_14 = tpu.memref_slice %arg6[%scan3A_13, %dma_start3A] : memref<80x128xi32, #tpu.memory_space<vmem>> -> memref<1x128xi32, #tpu.memory_space<vmem>>
        %dma_start3A_15 = tpu.memref_squeeze %dma_start3A_14 : memref<1x128xi32, #tpu.memory_space<vmem>> -> memref<128xi32, #tpu.memory_space<vmem>>
        %dma_start3A_16 = arith.constant 0 : i32
        %dma_start3A_17 = tpu.memref_slice %arg8[%dma_start3A_16] : memref<10240xf32, #tpu.memory_space<vmem_shared>> -> memref<10240xf32, #tpu.memory_space<vmem_shared>>
        tpu.enqueue_indirect_dma source(%arg7 : memref<128xf32, #tpu.memory_space<vmem>>) target(%dma_start3A_17 : memref<10240xf32, #tpu.memory_space<vmem_shared>>) offsets(%dma_start3A_15 : memref<128xi32, #tpu.memory_space<vmem>>) semaphore(%run_scoped3A : memref<!tpu.dma_semaphore, #tpu.memory_space<semaphore_mem>>) {add = true}
        %dma_wait3A = arith.constant 0 : i32
        %dma_wait3A_18 = tpu.memref_slice %arg6[%scan3A_13, %dma_wait3A] : memref<80x128xi32, #tpu.memory_space<vmem>> -> memref<1x128xi32, #tpu.memory_space<vmem>>
        %dma_wait3A_19 = tpu.memref_squeeze %dma_wait3A_18 : memref<1x128xi32, #tpu.memory_space<vmem>> -> memref<128xi32, #tpu.memory_space<vmem>>
        %dma_wait3A_20 = arith.constant 0 : i32
        %dma_wait3A_21 = tpu.memref_slice %arg8[%dma_wait3A_20] : memref<10240xf32, #tpu.memory_space<vmem_shared>> -> memref<10240xf32, #tpu.memory_space<vmem_shared>>
        tpu.wait_indirect_dma semaphore(%run_scoped3A : memref<!tpu.dma_semaphore, #tpu.memory_space<semaphore_mem>>) src(%arg7 : memref<128xf32, #tpu.memory_space<vmem>>) dst(%dma_wait3A_21 : memref<10240xf32, #tpu.memory_space<vmem_shared>>)
        tpu.yield
      }) : () -> ()
    }
    %scan3A_7 = arith.constant 80 : i32
    %barrier3A_8 = arith.constant 0 : index
    tpu.barrier barrier_id(%barrier3A_8)
    %mul3A_9 = arith.constant 640 : i32
    %mul3A_10 = arith.muli %arg1, %mul3A_9 : i32
    %mul3A_11 = arith.constant 640 : i32
    %mul3A_12 = arith.muli %arg1, %mul3A_11 : i32
    "tpu.region"() ({
      %run_scoped3A = tpu.sem_alloc : memref<!tpu.dma_semaphore, #tpu.memory_space<semaphore_mem>>
      %dma_start3A = tpu.memref_slice %arg5[%arg0, %mul3A_12] : memref<2x10240xf32, #tpu.memory_space<hbm>> -> memref<1x640xf32, #tpu.memory_space<hbm>>
      %dma_start3A_13 = tpu.memref_squeeze %dma_start3A : memref<1x640xf32, #tpu.memory_space<hbm>> -> memref<640xf32, #tpu.memory_space<hbm>>
      %dma_start3A_14 = tpu.memref_slice %arg8[%mul3A_10] : memref<10240xf32, #tpu.memory_space<vmem_shared>> -> memref<640xf32, #tpu.memory_space<vmem_shared>>
      tpu.enqueue_dma source(%dma_start3A_14 : memref<640xf32, #tpu.memory_space<vmem_shared>>) target(%dma_start3A_13 : memref<640xf32, #tpu.memory_space<hbm>>) target_semaphore(%run_scoped3A : memref<!tpu.dma_semaphore, #tpu.memory_space<semaphore_mem>>)
      %dma_wait3A = tpu.memref_slice %arg5[%arg0, %mul3A_12] : memref<2x10240xf32, #tpu.memory_space<hbm>> -> memref<1x640xf32, #tpu.memory_space<hbm>>
      %dma_wait3A_15 = tpu.memref_squeeze %dma_wait3A : memref<1x640xf32, #tpu.memory_space<hbm>> -> memref<640xf32, #tpu.memory_space<hbm>>
      %dma_wait3A_16 = tpu.memref_slice %arg8[%mul3A_10] : memref<10240xf32, #tpu.memory_space<vmem_shared>> -> memref<640xf32, #tpu.memory_space<vmem_shared>>
      tpu.wait_dma2 semaphore(%run_scoped3A : memref<!tpu.dma_semaphore, #tpu.memory_space<semaphore_mem>>) src(%dma_wait3A_16 : memref<640xf32, #tpu.memory_space<vmem_shared>>) dst(%dma_wait3A_15 : memref<640xf32, #tpu.memory_space<hbm>>)
      tpu.yield
    }) : () -> ()
    return
  }
}

#map = affine_map<(d0, d1) -> (0, 0)>
#map1 = affine_map<(d0, d1) -> (0, 0, 0)>
module attributes {stable_mosaic.version = 14 : i64} {
  func.func @sc_scatter(%arg0: i32, %arg1: i32, %arg2: memref<10240x128xf32, #tpu.memory_space<hbm>>, %arg3: memref<32x10240xi32, #tpu.memory_space<hbm>>, %arg4: memref<32x128x80xi32, #tpu.memory_space<hbm>>, %arg5: memref<640x128xf32, #tpu.memory_space<hbm>>, %arg6: memref<2x10240x128xf32, #tpu.memory_space<hbm>>, %arg7: memref<10240xi32, #tpu.memory_space<vmem>>, %arg8: memref<128x80xi32, #tpu.memory_space<vmem>>, %arg9: memref<80x128xf32, #tpu.memory_space<vmem>>, %arg10: memref<80x128xf32, #tpu.memory_space<vmem>>, %arg11: memref<10240x128xf32, #tpu.memory_space<vmem_shared>>, %arg12: memref<!tpu.dma_semaphore, #tpu.memory_space<semaphore_mem>>, %arg13: memref<!tpu.dma_semaphore, #tpu.memory_space<semaphore_mem>>) attributes {dimension_semantics = [#tpu.dimension_semantics<core_parallel>, #tpu.dimension_semantics<subcore_parallel>], iteration_bounds = array<i64: 2, 16>, scalar_prefetch = 0 : i64, scratch_operands = 7 : i64, tpu.core_type = #tpu.core_type<sc_vector_subcore>, window_params = [{transform_indices = #map}, {transform_indices = #map}, {transform_indices = #map1}, {transform_indices = #map}, {transform_indices = #map1}]} {
    %mul3A = arith.constant 2 : i32
    %mul3A_0 = arith.muli %arg1, %mul3A : i32
    %add3A = arith.addi %mul3A_0, %arg0 : i32
    %mul3A_1 = arith.constant 640 : i32
    %mul3A_2 = arith.muli %arg1, %mul3A_1 : i32
    %dma_start3A = arith.constant 0 : i32
    %dma_start3A_3 = tpu.memref_slice %arg11[%mul3A_2, %dma_start3A] : memref<10240x128xf32, #tpu.memory_space<vmem_shared>> -> memref<640x128xf32, #tpu.memory_space<vmem_shared>>
    tpu.enqueue_dma source(%arg5 : memref<640x128xf32, #tpu.memory_space<hbm>>) target(%dma_start3A_3 : memref<640x128xf32, #tpu.memory_space<vmem_shared>>) target_semaphore(%arg12 : memref<!tpu.dma_semaphore, #tpu.memory_space<semaphore_mem>>)
    %dma_start3A_4 = arith.constant 0 : i32
    %dma_start3A_5 = tpu.memref_slice %arg3[%add3A, %dma_start3A_4] : memref<32x10240xi32, #tpu.memory_space<hbm>> -> memref<1x10240xi32, #tpu.memory_space<hbm>>
    %dma_start3A_6 = tpu.memref_squeeze %dma_start3A_5 : memref<1x10240xi32, #tpu.memory_space<hbm>> -> memref<10240xi32, #tpu.memory_space<hbm>>
    %dma_start3A_7 = arith.constant 0 : i32
    %dma_start3A_8 = tpu.memref_slice %arg3[%add3A, %dma_start3A_7] : memref<32x10240xi32, #tpu.memory_space<hbm>> -> memref<1x10240xi32, #tpu.memory_space<hbm>>
    %dma_start3A_9 = tpu.memref_squeeze %dma_start3A_8 : memref<1x10240xi32, #tpu.memory_space<hbm>> -> memref<10240xi32, #tpu.memory_space<hbm>>
    tpu.enqueue_dma source(%dma_start3A_9 : memref<10240xi32, #tpu.memory_space<hbm>>) target(%arg7 : memref<10240xi32, #tpu.memory_space<vmem>>) target_semaphore(%arg13 : memref<!tpu.dma_semaphore, #tpu.memory_space<semaphore_mem>>)
    %dma_start3A_10 = arith.constant 0 : i32
    %dma_start3A_11 = arith.constant 0 : i32
    %dma_start3A_12 = tpu.memref_slice %arg4[%add3A, %dma_start3A_10, %dma_start3A_11] : memref<32x128x80xi32, #tpu.memory_space<hbm>> -> memref<1x128x80xi32, #tpu.memory_space<hbm>>
    %dma_start3A_13 = tpu.memref_squeeze %dma_start3A_12 : memref<1x128x80xi32, #tpu.memory_space<hbm>> -> memref<128x80xi32, #tpu.memory_space<hbm>>
    %dma_start3A_14 = arith.constant 0 : i32
    %dma_start3A_15 = arith.constant 0 : i32
    %dma_start3A_16 = tpu.memref_slice %arg4[%add3A, %dma_start3A_14, %dma_start3A_15] : memref<32x128x80xi32, #tpu.memory_space<hbm>> -> memref<1x128x80xi32, #tpu.memory_space<hbm>>
    %dma_start3A_17 = tpu.memref_squeeze %dma_start3A_16 : memref<1x128x80xi32, #tpu.memory_space<hbm>> -> memref<128x80xi32, #tpu.memory_space<hbm>>
    tpu.enqueue_dma source(%dma_start3A_17 : memref<128x80xi32, #tpu.memory_space<hbm>>) target(%arg8 : memref<128x80xi32, #tpu.memory_space<vmem>>) target_semaphore(%arg13 : memref<!tpu.dma_semaphore, #tpu.memory_space<semaphore_mem>>)
    %mul3A_18 = arith.constant 640 : i32
    %mul3A_19 = arith.muli %arg1, %mul3A_18 : i32
    %dma_wait3A = arith.constant 0 : i32
    %dma_wait3A_20 = tpu.memref_slice %arg11[%mul3A_19, %dma_wait3A] : memref<10240x128xf32, #tpu.memory_space<vmem_shared>> -> memref<640x128xf32, #tpu.memory_space<vmem_shared>>
    tpu.wait_dma2 semaphore(%arg12 : memref<!tpu.dma_semaphore, #tpu.memory_space<semaphore_mem>>) src(%arg5 : memref<640x128xf32, #tpu.memory_space<hbm>>) dst(%dma_wait3A_20 : memref<640x128xf32, #tpu.memory_space<vmem_shared>>)
    %dma_wait3A_21 = arith.constant 0 : i32
    %dma_wait3A_22 = tpu.memref_slice %arg3[%add3A, %dma_wait3A_21] : memref<32x10240xi32, #tpu.memory_space<hbm>> -> memref<1x10240xi32, #tpu.memory_space<hbm>>
    %dma_wait3A_23 = tpu.memref_squeeze %dma_wait3A_22 : memref<1x10240xi32, #tpu.memory_space<hbm>> -> memref<10240xi32, #tpu.memory_space<hbm>>
    %dma_wait3A_24 = arith.constant 0 : i32
    %dma_wait3A_25 = tpu.memref_slice %arg3[%add3A, %dma_wait3A_24] : memref<32x10240xi32, #tpu.memory_space<hbm>> -> memref<1x10240xi32, #tpu.memory_space<hbm>>
    %dma_wait3A_26 = tpu.memref_squeeze %dma_wait3A_25 : memref<1x10240xi32, #tpu.memory_space<hbm>> -> memref<10240xi32, #tpu.memory_space<hbm>>
    tpu.wait_dma2 semaphore(%arg13 : memref<!tpu.dma_semaphore, #tpu.memory_space<semaphore_mem>>) src(%dma_wait3A_26 : memref<10240xi32, #tpu.memory_space<hbm>>) dst(%arg7 : memref<10240xi32, #tpu.memory_space<vmem>>)
    %dma_wait3A_27 = arith.constant 0 : i32
    %dma_wait3A_28 = arith.constant 0 : i32
    %dma_wait3A_29 = tpu.memref_slice %arg4[%add3A, %dma_wait3A_27, %dma_wait3A_28] : memref<32x128x80xi32, #tpu.memory_space<hbm>> -> memref<1x128x80xi32, #tpu.memory_space<hbm>>
    %dma_wait3A_30 = tpu.memref_squeeze %dma_wait3A_29 : memref<1x128x80xi32, #tpu.memory_space<hbm>> -> memref<128x80xi32, #tpu.memory_space<hbm>>
    %dma_wait3A_31 = arith.constant 0 : i32
    %dma_wait3A_32 = arith.constant 0 : i32
    %dma_wait3A_33 = tpu.memref_slice %arg4[%add3A, %dma_wait3A_31, %dma_wait3A_32] : memref<32x128x80xi32, #tpu.memory_space<hbm>> -> memref<1x128x80xi32, #tpu.memory_space<hbm>>
    %dma_wait3A_34 = tpu.memref_squeeze %dma_wait3A_33 : memref<1x128x80xi32, #tpu.memory_space<hbm>> -> memref<128x80xi32, #tpu.memory_space<hbm>>
    tpu.wait_dma2 semaphore(%arg13 : memref<!tpu.dma_semaphore, #tpu.memory_space<semaphore_mem>>) src(%dma_wait3A_34 : memref<128x80xi32, #tpu.memory_space<hbm>>) dst(%arg8 : memref<128x80xi32, #tpu.memory_space<vmem>>)
    %barrier3A = arith.constant 0 : index
    tpu.barrier barrier_id(%barrier3A)
    %dma_start3A_35 = arith.constant 0 : i32
    %dma_start3A_36 = tpu.memref_slice %arg7[%dma_start3A_35] : memref<10240xi32, #tpu.memory_space<vmem>> -> memref<80xi32, #tpu.memory_space<vmem>>
    %dma_start3A_37 = arith.constant 0 : i32
    %dma_start3A_38 = arith.constant 0 : i32
    %dma_start3A_39 = tpu.memref_slice %arg2[%dma_start3A_37, %dma_start3A_38] : memref<10240x128xf32, #tpu.memory_space<hbm>> -> memref<10240x128xf32, #tpu.memory_space<hbm>>
    tpu.enqueue_indirect_dma source(%dma_start3A_39 : memref<10240x128xf32, #tpu.memory_space<hbm>>) target(%arg9 : memref<80x128xf32, #tpu.memory_space<vmem>>) offsets(%dma_start3A_36 : memref<80xi32, #tpu.memory_space<vmem>>) semaphore(%arg12 : memref<!tpu.dma_semaphore, #tpu.memory_space<semaphore_mem>>)
    %scan3A = arith.constant 0 : i32
    %scan3A_40 = arith.constant 0 : i32
    %scan3A_41 = arith.constant 64 : i32
    %scan3A_42 = arith.addi %scan3A_40, %scan3A_41 : i32
    %scan3A_43 = arith.constant 1 : i32
    scf.for %scan3A_55 = %scan3A_40 to %scan3A_42 step %scan3A_43  : i32 {
      %mul3A_56 = arith.constant 2 : i32
      %mul3A_57 = arith.muli %mul3A_56, %scan3A_55 : i32
      %mul3A_58 = arith.constant 2 : i32
      %mul3A_59 = arith.muli %mul3A_58, %scan3A_55 : i32
      %add3A_60 = arith.constant 1 : i32
      %add3A_61 = arith.addi %mul3A_59, %add3A_60 : i32
      %add3A_62 = arith.constant 1 : i32
      %add3A_63 = arith.addi %add3A_61, %add3A_62 : i32
      %min3A = arith.constant 127 : i32
      %min3A_64 = arith.minsi %add3A_63, %min3A : i32
      %mul3A_65 = arith.constant 80 : i32
      %mul3A_66 = arith.muli %mul3A_57, %mul3A_65 : i32
      %dma_wait3A_67 = tpu.memref_slice %arg7[%mul3A_66] : memref<10240xi32, #tpu.memory_space<vmem>> -> memref<80xi32, #tpu.memory_space<vmem>>
      %dma_wait3A_68 = arith.constant 0 : i32
      %dma_wait3A_69 = arith.constant 0 : i32
      %dma_wait3A_70 = tpu.memref_slice %arg2[%dma_wait3A_68, %dma_wait3A_69] : memref<10240x128xf32, #tpu.memory_space<hbm>> -> memref<10240x128xf32, #tpu.memory_space<hbm>>
      tpu.wait_indirect_dma semaphore(%arg12 : memref<!tpu.dma_semaphore, #tpu.memory_space<semaphore_mem>>) src(%dma_wait3A_70 : memref<10240x128xf32, #tpu.memory_space<hbm>>) dst(%arg9 : memref<80x128xf32, #tpu.memory_space<vmem>>)
      %mul3A_71 = arith.constant 80 : i32
      %mul3A_72 = arith.muli %add3A_61, %mul3A_71 : i32
      %dma_start3A_73 = tpu.memref_slice %arg7[%mul3A_72] : memref<10240xi32, #tpu.memory_space<vmem>> -> memref<80xi32, #tpu.memory_space<vmem>>
      %dma_start3A_74 = arith.constant 0 : i32
      %dma_start3A_75 = arith.constant 0 : i32
      %dma_start3A_76 = tpu.memref_slice %arg2[%dma_start3A_74, %dma_start3A_75] : memref<10240x128xf32, #tpu.memory_space<hbm>> -> memref<10240x128xf32, #tpu.memory_space<hbm>>
      tpu.enqueue_indirect_dma source(%dma_start3A_76 : memref<10240x128xf32, #tpu.memory_space<hbm>>) target(%arg10 : memref<80x128xf32, #tpu.memory_space<vmem>>) offsets(%dma_start3A_73 : memref<80xi32, #tpu.memory_space<vmem>>) semaphore(%arg13 : memref<!tpu.dma_semaphore, #tpu.memory_space<semaphore_mem>>)
      "tpu.region"() ({
        %run_scoped3A = tpu.sem_alloc : memref<!tpu.dma_semaphore, #tpu.memory_space<semaphore_mem>>
        %dma_start3A_89 = arith.constant 0 : i32
        %dma_start3A_90 = tpu.memref_slice %arg8[%mul3A_57, %dma_start3A_89] : memref<128x80xi32, #tpu.memory_space<vmem>> -> memref<1x80xi32, #tpu.memory_space<vmem>>
        %dma_start3A_91 = tpu.memref_squeeze %dma_start3A_90 : memref<1x80xi32, #tpu.memory_space<vmem>> -> memref<80xi32, #tpu.memory_space<vmem>>
        %dma_start3A_92 = arith.constant 0 : i32
        %dma_start3A_93 = arith.constant 0 : i32
        %dma_start3A_94 = tpu.memref_slice %arg11[%dma_start3A_92, %dma_start3A_93] : memref<10240x128xf32, #tpu.memory_space<vmem_shared>> -> memref<10240x128xf32, #tpu.memory_space<vmem_shared>>
        tpu.enqueue_indirect_dma source(%arg9 : memref<80x128xf32, #tpu.memory_space<vmem>>) target(%dma_start3A_94 : memref<10240x128xf32, #tpu.memory_space<vmem_shared>>) offsets(%dma_start3A_91 : memref<80xi32, #tpu.memory_space<vmem>>) semaphore(%run_scoped3A : memref<!tpu.dma_semaphore, #tpu.memory_space<semaphore_mem>>) {add = true}
        %dma_wait3A_95 = arith.constant 0 : i32
        %dma_wait3A_96 = tpu.memref_slice %arg8[%mul3A_57, %dma_wait3A_95] : memref<128x80xi32, #tpu.memory_space<vmem>> -> memref<1x80xi32, #tpu.memory_space<vmem>>
        %dma_wait3A_97 = tpu.memref_squeeze %dma_wait3A_96 : memref<1x80xi32, #tpu.memory_space<vmem>> -> memref<80xi32, #tpu.memory_space<vmem>>
        %dma_wait3A_98 = arith.constant 0 : i32
        %dma_wait3A_99 = arith.constant 0 : i32
        %dma_wait3A_100 = tpu.memref_slice %arg11[%dma_wait3A_98, %dma_wait3A_99] : memref<10240x128xf32, #tpu.memory_space<vmem_shared>> -> memref<10240x128xf32, #tpu.memory_space<vmem_shared>>
        tpu.wait_indirect_dma semaphore(%run_scoped3A : memref<!tpu.dma_semaphore, #tpu.memory_space<semaphore_mem>>) src(%arg9 : memref<80x128xf32, #tpu.memory_space<vmem>>) dst(%dma_wait3A_100 : memref<10240x128xf32, #tpu.memory_space<vmem_shared>>)
        tpu.yield
      }) : () -> ()
      %mul3A_77 = arith.constant 80 : i32
      %mul3A_78 = arith.muli %add3A_61, %mul3A_77 : i32
      %dma_wait3A_79 = tpu.memref_slice %arg7[%mul3A_78] : memref<10240xi32, #tpu.memory_space<vmem>> -> memref<80xi32, #tpu.memory_space<vmem>>
      %dma_wait3A_80 = arith.constant 0 : i32
      %dma_wait3A_81 = arith.constant 0 : i32
      %dma_wait3A_82 = tpu.memref_slice %arg2[%dma_wait3A_80, %dma_wait3A_81] : memref<10240x128xf32, #tpu.memory_space<hbm>> -> memref<10240x128xf32, #tpu.memory_space<hbm>>
      tpu.wait_indirect_dma semaphore(%arg13 : memref<!tpu.dma_semaphore, #tpu.memory_space<semaphore_mem>>) src(%dma_wait3A_82 : memref<10240x128xf32, #tpu.memory_space<hbm>>) dst(%arg10 : memref<80x128xf32, #tpu.memory_space<vmem>>)
      %mul3A_83 = arith.constant 80 : i32
      %mul3A_84 = arith.muli %min3A_64, %mul3A_83 : i32
      %dma_start3A_85 = tpu.memref_slice %arg7[%mul3A_84] : memref<10240xi32, #tpu.memory_space<vmem>> -> memref<80xi32, #tpu.memory_space<vmem>>
      %dma_start3A_86 = arith.constant 0 : i32
      %dma_start3A_87 = arith.constant 0 : i32
      %dma_start3A_88 = tpu.memref_slice %arg2[%dma_start3A_86, %dma_start3A_87] : memref<10240x128xf32, #tpu.memory_space<hbm>> -> memref<10240x128xf32, #tpu.memory_space<hbm>>
      tpu.enqueue_indirect_dma source(%dma_start3A_88 : memref<10240x128xf32, #tpu.memory_space<hbm>>) target(%arg9 : memref<80x128xf32, #tpu.memory_space<vmem>>) offsets(%dma_start3A_85 : memref<80xi32, #tpu.memory_space<vmem>>) semaphore(%arg12 : memref<!tpu.dma_semaphore, #tpu.memory_space<semaphore_mem>>)
      "tpu.region"() ({
        %run_scoped3A = tpu.sem_alloc : memref<!tpu.dma_semaphore, #tpu.memory_space<semaphore_mem>>
        %dma_start3A_89 = arith.constant 0 : i32
        %dma_start3A_90 = tpu.memref_slice %arg8[%add3A_61, %dma_start3A_89] : memref<128x80xi32, #tpu.memory_space<vmem>> -> memref<1x80xi32, #tpu.memory_space<vmem>>
        %dma_start3A_91 = tpu.memref_squeeze %dma_start3A_90 : memref<1x80xi32, #tpu.memory_space<vmem>> -> memref<80xi32, #tpu.memory_space<vmem>>
        %dma_start3A_92 = arith.constant 0 : i32
        %dma_start3A_93 = arith.constant 0 : i32
        %dma_start3A_94 = tpu.memref_slice %arg11[%dma_start3A_92, %dma_start3A_93] : memref<10240x128xf32, #tpu.memory_space<vmem_shared>> -> memref<10240x128xf32, #tpu.memory_space<vmem_shared>>
        tpu.enqueue_indirect_dma source(%arg10 : memref<80x128xf32, #tpu.memory_space<vmem>>) target(%dma_start3A_94 : memref<10240x128xf32, #tpu.memory_space<vmem_shared>>) offsets(%dma_start3A_91 : memref<80xi32, #tpu.memory_space<vmem>>) semaphore(%run_scoped3A : memref<!tpu.dma_semaphore, #tpu.memory_space<semaphore_mem>>) {add = true}
        %dma_wait3A_95 = arith.constant 0 : i32
        %dma_wait3A_96 = tpu.memref_slice %arg8[%add3A_61, %dma_wait3A_95] : memref<128x80xi32, #tpu.memory_space<vmem>> -> memref<1x80xi32, #tpu.memory_space<vmem>>
        %dma_wait3A_97 = tpu.memref_squeeze %dma_wait3A_96 : memref<1x80xi32, #tpu.memory_space<vmem>> -> memref<80xi32, #tpu.memory_space<vmem>>
        %dma_wait3A_98 = arith.constant 0 : i32
        %dma_wait3A_99 = arith.constant 0 : i32
        %dma_wait3A_100 = tpu.memref_slice %arg11[%dma_wait3A_98, %dma_wait3A_99] : memref<10240x128xf32, #tpu.memory_space<vmem_shared>> -> memref<10240x128xf32, #tpu.memory_space<vmem_shared>>
        tpu.wait_indirect_dma semaphore(%run_scoped3A : memref<!tpu.dma_semaphore, #tpu.memory_space<semaphore_mem>>) src(%arg10 : memref<80x128xf32, #tpu.memory_space<vmem>>) dst(%dma_wait3A_100 : memref<10240x128xf32, #tpu.memory_space<vmem_shared>>)
        tpu.yield
      }) : () -> ()
    }
    %scan3A_44 = arith.constant 64 : i32
    %dma_wait3A_45 = arith.constant 0 : i32
    %dma_wait3A_46 = tpu.memref_slice %arg7[%dma_wait3A_45] : memref<10240xi32, #tpu.memory_space<vmem>> -> memref<80xi32, #tpu.memory_space<vmem>>
    %dma_wait3A_47 = arith.constant 0 : i32
    %dma_wait3A_48 = arith.constant 0 : i32
    %dma_wait3A_49 = tpu.memref_slice %arg2[%dma_wait3A_47, %dma_wait3A_48] : memref<10240x128xf32, #tpu.memory_space<hbm>> -> memref<10240x128xf32, #tpu.memory_space<hbm>>
    tpu.wait_indirect_dma semaphore(%arg12 : memref<!tpu.dma_semaphore, #tpu.memory_space<semaphore_mem>>) src(%dma_wait3A_49 : memref<10240x128xf32, #tpu.memory_space<hbm>>) dst(%arg9 : memref<80x128xf32, #tpu.memory_space<vmem>>)
    %barrier3A_50 = arith.constant 0 : index
    tpu.barrier barrier_id(%barrier3A_50)
    %mul3A_51 = arith.constant 640 : i32
    %mul3A_52 = arith.muli %arg1, %mul3A_51 : i32
    %mul3A_53 = arith.constant 640 : i32
    %mul3A_54 = arith.muli %arg1, %mul3A_53 : i32
    "tpu.region"() ({
      %run_scoped3A = tpu.sem_alloc : memref<!tpu.dma_semaphore, #tpu.memory_space<semaphore_mem>>
      %dma_start3A_55 = arith.constant 0 : i32
      %dma_start3A_56 = tpu.memref_slice %arg6[%arg0, %mul3A_54, %dma_start3A_55] : memref<2x10240x128xf32, #tpu.memory_space<hbm>> -> memref<1x640x128xf32, #tpu.memory_space<hbm>>
      %dma_start3A_57 = tpu.memref_squeeze %dma_start3A_56 : memref<1x640x128xf32, #tpu.memory_space<hbm>> -> memref<640x128xf32, #tpu.memory_space<hbm>>
      %dma_start3A_58 = arith.constant 0 : i32
      %dma_start3A_59 = tpu.memref_slice %arg11[%mul3A_52, %dma_start3A_58] : memref<10240x128xf32, #tpu.memory_space<vmem_shared>> -> memref<640x128xf32, #tpu.memory_space<vmem_shared>>
      tpu.enqueue_dma source(%dma_start3A_59 : memref<640x128xf32, #tpu.memory_space<vmem_shared>>) target(%dma_start3A_57 : memref<640x128xf32, #tpu.memory_space<hbm>>) target_semaphore(%run_scoped3A : memref<!tpu.dma_semaphore, #tpu.memory_space<semaphore_mem>>)
      %dma_wait3A_60 = arith.constant 0 : i32
      %dma_wait3A_61 = tpu.memref_slice %arg6[%arg0, %mul3A_54, %dma_wait3A_60] : memref<2x10240x128xf32, #tpu.memory_space<hbm>> -> memref<1x640x128xf32, #tpu.memory_space<hbm>>
      %dma_wait3A_62 = tpu.memref_squeeze %dma_wait3A_61 : memref<1x640x128xf32, #tpu.memory_space<hbm>> -> memref<640x128xf32, #tpu.memory_space<hbm>>
      %dma_wait3A_63 = arith.constant 0 : i32
      %dma_wait3A_64 = tpu.memref_slice %arg11[%mul3A_52, %dma_wait3A_63] : memref<10240x128xf32, #tpu.memory_space<vmem_shared>> -> memref<640x128xf32, #tpu.memory_space<vmem_shared>>
      tpu.wait_dma2 semaphore(%run_scoped3A : memref<!tpu.dma_semaphore, #tpu.memory_space<semaphore_mem>>) src(%dma_wait3A_64 : memref<640x128xf32, #tpu.memory_space<vmem_shared>>) dst(%dma_wait3A_62 : memref<640x128xf32, #tpu.memory_space<hbm>>)
      tpu.yield
    }) : () -> ()
    return
  }
}

#map = affine_map<(d0, d1) -> (0, 0)>
#map1 = affine_map<(d0, d1) -> (0, 0, 0)>
module attributes {stable_mosaic.version = 14 : i64} {
  func.func @sc_scatter(%arg0: i32, %arg1: i32, %arg2: memref<10240x128xf32, #tpu.memory_space<hbm>>, %arg3: memref<32x10240xi32, #tpu.memory_space<hbm>>, %arg4: memref<32x128x80xi32, #tpu.memory_space<hbm>>, %arg5: memref<640x128xf32, #tpu.memory_space<hbm>>, %arg6: memref<2x10240x128xf32, #tpu.memory_space<hbm>>, %arg7: memref<10240xi32, #tpu.memory_space<vmem>>, %arg8: memref<128x80xi32, #tpu.memory_space<vmem>>, %arg9: memref<80x128xf32, #tpu.memory_space<vmem>>, %arg10: memref<80x128xf32, #tpu.memory_space<vmem>>, %arg11: memref<10240x128xf32, #tpu.memory_space<vmem_shared>>, %arg12: memref<!tpu.dma_semaphore, #tpu.memory_space<semaphore_mem>>, %arg13: memref<!tpu.dma_semaphore, #tpu.memory_space<semaphore_mem>>) attributes {dimension_semantics = [#tpu.dimension_semantics<core_parallel>, #tpu.dimension_semantics<subcore_parallel>], iteration_bounds = array<i64: 2, 16>, scalar_prefetch = 0 : i64, scratch_operands = 7 : i64, tpu.core_type = #tpu.core_type<sc_vector_subcore>, window_params = [{transform_indices = #map}, {transform_indices = #map}, {transform_indices = #map1}, {transform_indices = #map}, {transform_indices = #map1}]} {
    %mul3A = arith.constant 2 : i32
    %mul3A_0 = arith.muli %arg1, %mul3A : i32
    %add3A = arith.addi %mul3A_0, %arg0 : i32
    %mul3A_1 = arith.constant 640 : i32
    %mul3A_2 = arith.muli %arg1, %mul3A_1 : i32
    %dma_start3A = arith.constant 0 : i32
    %dma_start3A_3 = tpu.memref_slice %arg11[%mul3A_2, %dma_start3A] : memref<10240x128xf32, #tpu.memory_space<vmem_shared>> -> memref<640x128xf32, #tpu.memory_space<vmem_shared>>
    tpu.enqueue_dma source(%arg5 : memref<640x128xf32, #tpu.memory_space<hbm>>) target(%dma_start3A_3 : memref<640x128xf32, #tpu.memory_space<vmem_shared>>) target_semaphore(%arg12 : memref<!tpu.dma_semaphore, #tpu.memory_space<semaphore_mem>>)
    %dma_start3A_4 = arith.constant 0 : i32
    %dma_start3A_5 = tpu.memref_slice %arg3[%add3A, %dma_start3A_4] : memref<32x10240xi32, #tpu.memory_space<hbm>> -> memref<1x10240xi32, #tpu.memory_space<hbm>>
    %dma_start3A_6 = tpu.memref_squeeze %dma_start3A_5 : memref<1x10240xi32, #tpu.memory_space<hbm>> -> memref<10240xi32, #tpu.memory_space<hbm>>
    %dma_start3A_7 = arith.constant 0 : i32
    %dma_start3A_8 = tpu.memref_slice %arg3[%add3A, %dma_start3A_7] : memref<32x10240xi32, #tpu.memory_space<hbm>> -> memref<1x10240xi32, #tpu.memory_space<hbm>>
    %dma_start3A_9 = tpu.memref_squeeze %dma_start3A_8 : memref<1x10240xi32, #tpu.memory_space<hbm>> -> memref<10240xi32, #tpu.memory_space<hbm>>
    tpu.enqueue_dma source(%dma_start3A_9 : memref<10240xi32, #tpu.memory_space<hbm>>) target(%arg7 : memref<10240xi32, #tpu.memory_space<vmem>>) target_semaphore(%arg13 : memref<!tpu.dma_semaphore, #tpu.memory_space<semaphore_mem>>)
    %dma_start3A_10 = arith.constant 0 : i32
    %dma_start3A_11 = arith.constant 0 : i32
    %dma_start3A_12 = tpu.memref_slice %arg4[%add3A, %dma_start3A_10, %dma_start3A_11] : memref<32x128x80xi32, #tpu.memory_space<hbm>> -> memref<1x128x80xi32, #tpu.memory_space<hbm>>
    %dma_start3A_13 = tpu.memref_squeeze %dma_start3A_12 : memref<1x128x80xi32, #tpu.memory_space<hbm>> -> memref<128x80xi32, #tpu.memory_space<hbm>>
    %dma_start3A_14 = arith.constant 0 : i32
    %dma_start3A_15 = arith.constant 0 : i32
    %dma_start3A_16 = tpu.memref_slice %arg4[%add3A, %dma_start3A_14, %dma_start3A_15] : memref<32x128x80xi32, #tpu.memory_space<hbm>> -> memref<1x128x80xi32, #tpu.memory_space<hbm>>
    %dma_start3A_17 = tpu.memref_squeeze %dma_start3A_16 : memref<1x128x80xi32, #tpu.memory_space<hbm>> -> memref<128x80xi32, #tpu.memory_space<hbm>>
    tpu.enqueue_dma source(%dma_start3A_17 : memref<128x80xi32, #tpu.memory_space<hbm>>) target(%arg8 : memref<128x80xi32, #tpu.memory_space<vmem>>) target_semaphore(%arg13 : memref<!tpu.dma_semaphore, #tpu.memory_space<semaphore_mem>>)
    %mul3A_18 = arith.constant 640 : i32
    %mul3A_19 = arith.muli %arg1, %mul3A_18 : i32
    %dma_wait3A = arith.constant 0 : i32
    %dma_wait3A_20 = tpu.memref_slice %arg11[%mul3A_19, %dma_wait3A] : memref<10240x128xf32, #tpu.memory_space<vmem_shared>> -> memref<640x128xf32, #tpu.memory_space<vmem_shared>>
    tpu.wait_dma2 semaphore(%arg12 : memref<!tpu.dma_semaphore, #tpu.memory_space<semaphore_mem>>) src(%arg5 : memref<640x128xf32, #tpu.memory_space<hbm>>) dst(%dma_wait3A_20 : memref<640x128xf32, #tpu.memory_space<vmem_shared>>)
    %dma_wait3A_21 = arith.constant 0 : i32
    %dma_wait3A_22 = tpu.memref_slice %arg3[%add3A, %dma_wait3A_21] : memref<32x10240xi32, #tpu.memory_space<hbm>> -> memref<1x10240xi32, #tpu.memory_space<hbm>>
    %dma_wait3A_23 = tpu.memref_squeeze %dma_wait3A_22 : memref<1x10240xi32, #tpu.memory_space<hbm>> -> memref<10240xi32, #tpu.memory_space<hbm>>
    %dma_wait3A_24 = arith.constant 0 : i32
    %dma_wait3A_25 = tpu.memref_slice %arg3[%add3A, %dma_wait3A_24] : memref<32x10240xi32, #tpu.memory_space<hbm>> -> memref<1x10240xi32, #tpu.memory_space<hbm>>
    %dma_wait3A_26 = tpu.memref_squeeze %dma_wait3A_25 : memref<1x10240xi32, #tpu.memory_space<hbm>> -> memref<10240xi32, #tpu.memory_space<hbm>>
    tpu.wait_dma2 semaphore(%arg13 : memref<!tpu.dma_semaphore, #tpu.memory_space<semaphore_mem>>) src(%dma_wait3A_26 : memref<10240xi32, #tpu.memory_space<hbm>>) dst(%arg7 : memref<10240xi32, #tpu.memory_space<vmem>>)
    %dma_wait3A_27 = arith.constant 0 : i32
    %dma_wait3A_28 = arith.constant 0 : i32
    %dma_wait3A_29 = tpu.memref_slice %arg4[%add3A, %dma_wait3A_27, %dma_wait3A_28] : memref<32x128x80xi32, #tpu.memory_space<hbm>> -> memref<1x128x80xi32, #tpu.memory_space<hbm>>
    %dma_wait3A_30 = tpu.memref_squeeze %dma_wait3A_29 : memref<1x128x80xi32, #tpu.memory_space<hbm>> -> memref<128x80xi32, #tpu.memory_space<hbm>>
    %dma_wait3A_31 = arith.constant 0 : i32
    %dma_wait3A_32 = arith.constant 0 : i32
    %dma_wait3A_33 = tpu.memref_slice %arg4[%add3A, %dma_wait3A_31, %dma_wait3A_32] : memref<32x128x80xi32, #tpu.memory_space<hbm>> -> memref<1x128x80xi32, #tpu.memory_space<hbm>>
    %dma_wait3A_34 = tpu.memref_squeeze %dma_wait3A_33 : memref<1x128x80xi32, #tpu.memory_space<hbm>> -> memref<128x80xi32, #tpu.memory_space<hbm>>
    tpu.wait_dma2 semaphore(%arg13 : memref<!tpu.dma_semaphore, #tpu.memory_space<semaphore_mem>>) src(%dma_wait3A_34 : memref<128x80xi32, #tpu.memory_space<hbm>>) dst(%arg8 : memref<128x80xi32, #tpu.memory_space<vmem>>)
    %barrier3A = arith.constant 0 : index
    tpu.barrier barrier_id(%barrier3A)
    %dma_start3A_35 = arith.constant 0 : i32
    %dma_start3A_36 = tpu.memref_slice %arg7[%dma_start3A_35] : memref<10240xi32, #tpu.memory_space<vmem>> -> memref<80xi32, #tpu.memory_space<vmem>>
    %dma_start3A_37 = arith.constant 0 : i32
    %dma_start3A_38 = arith.constant 0 : i32
    %dma_start3A_39 = tpu.memref_slice %arg2[%dma_start3A_37, %dma_start3A_38] : memref<10240x128xf32, #tpu.memory_space<hbm>> -> memref<10240x128xf32, #tpu.memory_space<hbm>>
    tpu.enqueue_indirect_dma source(%dma_start3A_39 : memref<10240x128xf32, #tpu.memory_space<hbm>>) target(%arg9 : memref<80x128xf32, #tpu.memory_space<vmem>>) offsets(%dma_start3A_36 : memref<80xi32, #tpu.memory_space<vmem>>) semaphore(%arg12 : memref<!tpu.dma_semaphore, #tpu.memory_space<semaphore_mem>>)
    %scan3A = arith.constant 0 : i32
    %scan3A_40 = arith.constant 0 : i32
    %scan3A_41 = arith.constant 64 : i32
    %scan3A_42 = arith.addi %scan3A_40, %scan3A_41 : i32
    %scan3A_43 = arith.constant 1 : i32
    scf.for %scan3A_55 = %scan3A_40 to %scan3A_42 step %scan3A_43  : i32 {
      %mul3A_56 = arith.constant 2 : i32
      %mul3A_57 = arith.muli %mul3A_56, %scan3A_55 : i32
      %mul3A_58 = arith.constant 2 : i32
      %mul3A_59 = arith.muli %mul3A_58, %scan3A_55 : i32
      %add3A_60 = arith.constant 1 : i32
      %add3A_61 = arith.addi %mul3A_59, %add3A_60 : i32
      %add3A_62 = arith.constant 1 : i32
      %add3A_63 = arith.addi %add3A_61, %add3A_62 : i32
      %min3A = arith.constant 127 : i32
      %min3A_64 = arith.minsi %add3A_63, %min3A : i32
      %mul3A_65 = arith.constant 80 : i32
      %mul3A_66 = arith.muli %mul3A_57, %mul3A_65 : i32
      %dma_wait3A_67 = tpu.memref_slice %arg7[%mul3A_66] : memref<10240xi32, #tpu.memory_space<vmem>> -> memref<80xi32, #tpu.memory_space<vmem>>
      %dma_wait3A_68 = arith.constant 0 : i32
      %dma_wait3A_69 = arith.constant 0 : i32
      %dma_wait3A_70 = tpu.memref_slice %arg2[%dma_wait3A_68, %dma_wait3A_69] : memref<10240x128xf32, #tpu.memory_space<hbm>> -> memref<10240x128xf32, #tpu.memory_space<hbm>>
      tpu.wait_indirect_dma semaphore(%arg12 : memref<!tpu.dma_semaphore, #tpu.memory_space<semaphore_mem>>) src(%dma_wait3A_70 : memref<10240x128xf32, #tpu.memory_space<hbm>>) dst(%arg9 : memref<80x128xf32, #tpu.memory_space<vmem>>)
      %mul3A_71 = arith.constant 80 : i32
      %mul3A_72 = arith.muli %add3A_61, %mul3A_71 : i32
      %dma_start3A_73 = tpu.memref_slice %arg7[%mul3A_72] : memref<10240xi32, #tpu.memory_space<vmem>> -> memref<80xi32, #tpu.memory_space<vmem>>
      %dma_start3A_74 = arith.constant 0 : i32
      %dma_start3A_75 = arith.constant 0 : i32
      %dma_start3A_76 = tpu.memref_slice %arg2[%dma_start3A_74, %dma_start3A_75] : memref<10240x128xf32, #tpu.memory_space<hbm>> -> memref<10240x128xf32, #tpu.memory_space<hbm>>
      tpu.enqueue_indirect_dma source(%dma_start3A_76 : memref<10240x128xf32, #tpu.memory_space<hbm>>) target(%arg10 : memref<80x128xf32, #tpu.memory_space<vmem>>) offsets(%dma_start3A_73 : memref<80xi32, #tpu.memory_space<vmem>>) semaphore(%arg13 : memref<!tpu.dma_semaphore, #tpu.memory_space<semaphore_mem>>)
      "tpu.region"() ({
        %run_scoped3A = tpu.sem_alloc : memref<!tpu.dma_semaphore, #tpu.memory_space<semaphore_mem>>
        %dma_start3A_89 = arith.constant 0 : i32
        %dma_start3A_90 = tpu.memref_slice %arg8[%mul3A_57, %dma_start3A_89] : memref<128x80xi32, #tpu.memory_space<vmem>> -> memref<1x80xi32, #tpu.memory_space<vmem>>
        %dma_start3A_91 = tpu.memref_squeeze %dma_start3A_90 : memref<1x80xi32, #tpu.memory_space<vmem>> -> memref<80xi32, #tpu.memory_space<vmem>>
        %dma_start3A_92 = arith.constant 0 : i32
        %dma_start3A_93 = arith.constant 0 : i32
        %dma_start3A_94 = tpu.memref_slice %arg11[%dma_start3A_92, %dma_start3A_93] : memref<10240x128xf32, #tpu.memory_space<vmem_shared>> -> memref<10240x128xf32, #tpu.memory_space<vmem_shared>>
        tpu.enqueue_indirect_dma source(%arg9 : memref<80x128xf32, #tpu.memory_space<vmem>>) target(%dma_start3A_94 : memref<10240x128xf32, #tpu.memory_space<vmem_shared>>) offsets(%dma_start3A_91 : memref<80xi32, #tpu.memory_space<vmem>>) semaphore(%run_scoped3A : memref<!tpu.dma_semaphore, #tpu.memory_space<semaphore_mem>>) {add = true}
        %dma_wait3A_95 = arith.constant 0 : i32
        %dma_wait3A_96 = tpu.memref_slice %arg8[%mul3A_57, %dma_wait3A_95] : memref<128x80xi32, #tpu.memory_space<vmem>> -> memref<1x80xi32, #tpu.memory_space<vmem>>
        %dma_wait3A_97 = tpu.memref_squeeze %dma_wait3A_96 : memref<1x80xi32, #tpu.memory_space<vmem>> -> memref<80xi32, #tpu.memory_space<vmem>>
        %dma_wait3A_98 = arith.constant 0 : i32
        %dma_wait3A_99 = arith.constant 0 : i32
        %dma_wait3A_100 = tpu.memref_slice %arg11[%dma_wait3A_98, %dma_wait3A_99] : memref<10240x128xf32, #tpu.memory_space<vmem_shared>> -> memref<10240x128xf32, #tpu.memory_space<vmem_shared>>
        tpu.wait_indirect_dma semaphore(%run_scoped3A : memref<!tpu.dma_semaphore, #tpu.memory_space<semaphore_mem>>) src(%arg9 : memref<80x128xf32, #tpu.memory_space<vmem>>) dst(%dma_wait3A_100 : memref<10240x128xf32, #tpu.memory_space<vmem_shared>>)
        tpu.yield
      }) : () -> ()
      %mul3A_77 = arith.constant 80 : i32
      %mul3A_78 = arith.muli %add3A_61, %mul3A_77 : i32
      %dma_wait3A_79 = tpu.memref_slice %arg7[%mul3A_78] : memref<10240xi32, #tpu.memory_space<vmem>> -> memref<80xi32, #tpu.memory_space<vmem>>
      %dma_wait3A_80 = arith.constant 0 : i32
      %dma_wait3A_81 = arith.constant 0 : i32
      %dma_wait3A_82 = tpu.memref_slice %arg2[%dma_wait3A_80, %dma_wait3A_81] : memref<10240x128xf32, #tpu.memory_space<hbm>> -> memref<10240x128xf32, #tpu.memory_space<hbm>>
      tpu.wait_indirect_dma semaphore(%arg13 : memref<!tpu.dma_semaphore, #tpu.memory_space<semaphore_mem>>) src(%dma_wait3A_82 : memref<10240x128xf32, #tpu.memory_space<hbm>>) dst(%arg10 : memref<80x128xf32, #tpu.memory_space<vmem>>)
      %mul3A_83 = arith.constant 80 : i32
      %mul3A_84 = arith.muli %min3A_64, %mul3A_83 : i32
      %dma_start3A_85 = tpu.memref_slice %arg7[%mul3A_84] : memref<10240xi32, #tpu.memory_space<vmem>> -> memref<80xi32, #tpu.memory_space<vmem>>
      %dma_start3A_86 = arith.constant 0 : i32
      %dma_start3A_87 = arith.constant 0 : i32
      %dma_start3A_88 = tpu.memref_slice %arg2[%dma_start3A_86, %dma_start3A_87] : memref<10240x128xf32, #tpu.memory_space<hbm>> -> memref<10240x128xf32, #tpu.memory_space<hbm>>
      tpu.enqueue_indirect_dma source(%dma_start3A_88 : memref<10240x128xf32, #tpu.memory_space<hbm>>) target(%arg9 : memref<80x128xf32, #tpu.memory_space<vmem>>) offsets(%dma_start3A_85 : memref<80xi32, #tpu.memory_space<vmem>>) semaphore(%arg12 : memref<!tpu.dma_semaphore, #tpu.memory_space<semaphore_mem>>)
      "tpu.region"() ({
        %run_scoped3A = tpu.sem_alloc : memref<!tpu.dma_semaphore, #tpu.memory_space<semaphore_mem>>
        %dma_start3A_89 = arith.constant 0 : i32
        %dma_start3A_90 = tpu.memref_slice %arg8[%add3A_61, %dma_start3A_89] : memref<128x80xi32, #tpu.memory_space<vmem>> -> memref<1x80xi32, #tpu.memory_space<vmem>>
        %dma_start3A_91 = tpu.memref_squeeze %dma_start3A_90 : memref<1x80xi32, #tpu.memory_space<vmem>> -> memref<80xi32, #tpu.memory_space<vmem>>
        %dma_start3A_92 = arith.constant 0 : i32
        %dma_start3A_93 = arith.constant 0 : i32
        %dma_start3A_94 = tpu.memref_slice %arg11[%dma_start3A_92, %dma_start3A_93] : memref<10240x128xf32, #tpu.memory_space<vmem_shared>> -> memref<10240x128xf32, #tpu.memory_space<vmem_shared>>
        tpu.enqueue_indirect_dma source(%arg10 : memref<80x128xf32, #tpu.memory_space<vmem>>) target(%dma_start3A_94 : memref<10240x128xf32, #tpu.memory_space<vmem_shared>>) offsets(%dma_start3A_91 : memref<80xi32, #tpu.memory_space<vmem>>) semaphore(%run_scoped3A : memref<!tpu.dma_semaphore, #tpu.memory_space<semaphore_mem>>) {add = true}
        %dma_wait3A_95 = arith.constant 0 : i32
        %dma_wait3A_96 = tpu.memref_slice %arg8[%add3A_61, %dma_wait3A_95] : memref<128x80xi32, #tpu.memory_space<vmem>> -> memref<1x80xi32, #tpu.memory_space<vmem>>
        %dma_wait3A_97 = tpu.memref_squeeze %dma_wait3A_96 : memref<1x80xi32, #tpu.memory_space<vmem>> -> memref<80xi32, #tpu.memory_space<vmem>>
        %dma_wait3A_98 = arith.constant 0 : i32
        %dma_wait3A_99 = arith.constant 0 : i32
        %dma_wait3A_100 = tpu.memref_slice %arg11[%dma_wait3A_98, %dma_wait3A_99] : memref<10240x128xf32, #tpu.memory_space<vmem_shared>> -> memref<10240x128xf32, #tpu.memory_space<vmem_shared>>
        tpu.wait_indirect_dma semaphore(%run_scoped3A : memref<!tpu.dma_semaphore, #tpu.memory_space<semaphore_mem>>) src(%arg10 : memref<80x128xf32, #tpu.memory_space<vmem>>) dst(%dma_wait3A_100 : memref<10240x128xf32, #tpu.memory_space<vmem_shared>>)
        tpu.yield
      }) : () -> ()
    }
    %scan3A_44 = arith.constant 64 : i32
    %dma_wait3A_45 = arith.constant 0 : i32
    %dma_wait3A_46 = tpu.memref_slice %arg7[%dma_wait3A_45] : memref<10240xi32, #tpu.memory_space<vmem>> -> memref<80xi32, #tpu.memory_space<vmem>>
    %dma_wait3A_47 = arith.constant 0 : i32
    %dma_wait3A_48 = arith.constant 0 : i32
    %dma_wait3A_49 = tpu.memref_slice %arg2[%dma_wait3A_47, %dma_wait3A_48] : memref<10240x128xf32, #tpu.memory_space<hbm>> -> memref<10240x128xf32, #tpu.memory_space<hbm>>
    tpu.wait_indirect_dma semaphore(%arg12 : memref<!tpu.dma_semaphore, #tpu.memory_space<semaphore_mem>>) src(%dma_wait3A_49 : memref<10240x128xf32, #tpu.memory_space<hbm>>) dst(%arg9 : memref<80x128xf32, #tpu.memory_space<vmem>>)
    %barrier3A_50 = arith.constant 0 : index
    tpu.barrier barrier_id(%barrier3A_50)
    %mul3A_51 = arith.constant 640 : i32
    %mul3A_52 = arith.muli %arg1, %mul3A_51 : i32
    %mul3A_53 = arith.constant 640 : i32
    %mul3A_54 = arith.muli %arg1, %mul3A_53 : i32
    "tpu.region"() ({
      %run_scoped3A = tpu.sem_alloc : memref<!tpu.dma_semaphore, #tpu.memory_space<semaphore_mem>>
      %dma_start3A_55 = arith.constant 0 : i32
      %dma_start3A_56 = tpu.memref_slice %arg6[%arg0, %mul3A_54, %dma_start3A_55] : memref<2x10240x128xf32, #tpu.memory_space<hbm>> -> memref<1x640x128xf32, #tpu.memory_space<hbm>>
      %dma_start3A_57 = tpu.memref_squeeze %dma_start3A_56 : memref<1x640x128xf32, #tpu.memory_space<hbm>> -> memref<640x128xf32, #tpu.memory_space<hbm>>
      %dma_start3A_58 = arith.constant 0 : i32
      %dma_start3A_59 = tpu.memref_slice %arg11[%mul3A_52, %dma_start3A_58] : memref<10240x128xf32, #tpu.memory_space<vmem_shared>> -> memref<640x128xf32, #tpu.memory_space<vmem_shared>>
      tpu.enqueue_dma source(%dma_start3A_59 : memref<640x128xf32, #tpu.memory_space<vmem_shared>>) target(%dma_start3A_57 : memref<640x128xf32, #tpu.memory_space<hbm>>) target_semaphore(%run_scoped3A : memref<!tpu.dma_semaphore, #tpu.memory_space<semaphore_mem>>)
      %dma_wait3A_60 = arith.constant 0 : i32
      %dma_wait3A_61 = tpu.memref_slice %arg6[%arg0, %mul3A_54, %dma_wait3A_60] : memref<2x10240x128xf32, #tpu.memory_space<hbm>> -> memref<1x640x128xf32, #tpu.memory_space<hbm>>
      %dma_wait3A_62 = tpu.memref_squeeze %dma_wait3A_61 : memref<1x640x128xf32, #tpu.memory_space<hbm>> -> memref<640x128xf32, #tpu.memory_space<hbm>>
      %dma_wait3A_63 = arith.constant 0 : i32
      %dma_wait3A_64 = tpu.memref_slice %arg11[%mul3A_52, %dma_wait3A_63] : memref<10240x128xf32, #tpu.memory_space<vmem_shared>> -> memref<640x128xf32, #tpu.memory_space<vmem_shared>>
      tpu.wait_dma2 semaphore(%run_scoped3A : memref<!tpu.dma_semaphore, #tpu.memory_space<semaphore_mem>>) src(%dma_wait3A_64 : memref<640x128xf32, #tpu.memory_space<vmem_shared>>) dst(%dma_wait3A_62 : memref<640x128xf32, #tpu.memory_space<hbm>>)
      tpu.yield
    }) : () -> ()
    return
  }
}

module attributes {stable_mosaic.version = 14 : i64} {
  func.func @_tc_first(%arg0: memref<10000x128xf32, #tpu.memory_space<vmem>>, %arg1: memref<128x128xf32, #tpu.memory_space<vmem>>, %arg2: memref<128xf32, #tpu.memory_space<vmem>>, %arg3: memref<128x128xf32, #tpu.memory_space<vmem>>, %arg4: memref<128xf32, #tpu.memory_space<vmem>>, %arg5: memref<1x128xf32, #tpu.memory_space<vmem>>, %arg6: memref<2x10240xf32, #tpu.memory_space<vmem>>, %arg7: memref<10240x128xf32, #tpu.memory_space<vmem>>, %arg8: memref<10000x128xf32, #tpu.memory_space<vmem>>, %arg9: memref<10000xf32, #tpu.memory_space<vmem>>, %arg10: memref<10000xf32, #tpu.memory_space<vmem>>) attributes {dimension_semantics = [], scalar_prefetch = 0 : i64, scratch_operands = 0 : i64, tpu.core_type = #tpu.core_type<tc>} {
    %get3A = arith.constant 0 : index
    %get3A_0 = arith.constant 0 : index
    %get3A_1 = vector.load %arg0[%get3A, %get3A_0] : memref<10000x128xf32, #tpu.memory_space<vmem>>, vector<10000x128xf32>
    %get3A_2 = arith.constant 0 : index
    %get3A_3 = arith.constant 0 : index
    %get3A_4 = vector.load %arg1[%get3A_2, %get3A_3] : memref<128x128xf32, #tpu.memory_space<vmem>>, vector<128x128xf32>
    %dot_general3A = arith.constant dense<0.000000e+00> : vector<10000x128xf32>
    %dot_general3A_5 = tpu.matmul %get3A_1, %get3A_4, %dot_general3A {dimension_numbers = #tpu.dot_dimension_numbers<[1], [0], [0], [1], [0, 0, 1, 1], [], []>, transpose_lhs_hint = false} : vector<10000x128xf32>, vector<128x128xf32>, vector<10000x128xf32> -> vector<10000x128xf32>
    %get3A_6 = arith.constant 0 : index
    %get3A_7 = vector.load %arg2[%get3A_6] : memref<128xf32, #tpu.memory_space<vmem>>, vector<128xf32>
    %broadcast_in_dim3A = vector.shape_cast %get3A_7 : vector<128xf32> to vector<1x128xf32>
    %add3A = vector.broadcast %broadcast_in_dim3A : vector<1x128xf32> to vector<10000x128xf32>
    %add3A_8 = arith.addf %dot_general3A_5, %add3A : vector<10000x128xf32>
    %get3A_9 = arith.constant 0 : index
    %get3A_10 = arith.constant 0 : index
    %get3A_11 = vector.load %arg3[%get3A_9, %get3A_10] : memref<128x128xf32, #tpu.memory_space<vmem>>, vector<128x128xf32>
    %dot_general3A_12 = arith.constant dense<0.000000e+00> : vector<10000x128xf32>
    %dot_general3A_13 = tpu.matmul %add3A_8, %get3A_11, %dot_general3A_12 {dimension_numbers = #tpu.dot_dimension_numbers<[1], [0], [0], [1], [0, 0, 1, 1], [], []>, transpose_lhs_hint = false} : vector<10000x128xf32>, vector<128x128xf32>, vector<10000x128xf32> -> vector<10000x128xf32>
    %get3A_14 = arith.constant 0 : index
    %get3A_15 = vector.load %arg4[%get3A_14] : memref<128xf32, #tpu.memory_space<vmem>>, vector<128xf32>
    %broadcast_in_dim3A_16 = vector.shape_cast %get3A_15 : vector<128xf32> to vector<1x128xf32>
    %add3A_17 = vector.broadcast %broadcast_in_dim3A_16 : vector<1x128xf32> to vector<10000x128xf32>
    %add3A_18 = arith.addf %dot_general3A_13, %add3A_17 : vector<10000x128xf32>
    %get3A_19 = arith.constant 0 : index
    %get3A_20 = arith.constant 0 : index
    %get3A_21 = vector.load %arg6[%get3A_19, %get3A_20] : memref<2x10240xf32, #tpu.memory_space<vmem>>, vector<1x10000xf32>
    %get3A_22 = vector.shape_cast %get3A_21 : vector<1x10000xf32> to vector<10000xf32>
    %get3A_23 = arith.constant 1 : index
    %get3A_24 = arith.constant 0 : index
    %get3A_25 = vector.load %arg6[%get3A_23, %get3A_24] : memref<2x10240xf32, #tpu.memory_space<vmem>>, vector<1x10000xf32>
    %get3A_26 = vector.shape_cast %get3A_25 : vector<1x10000xf32> to vector<10000xf32>
    %add3A_27 = arith.addf %get3A_22, %get3A_26 : vector<10000xf32>
    %add3A_28 = arith.constant 1.000000e+00 : f32
    %add3A_29 = vector.broadcast %add3A_28 : f32 to vector<10000xf32>
    %add3A_30 = arith.addf %add3A_27, %add3A_29 : vector<10000xf32>
    %rsqrt3A = math.rsqrt %add3A_30 : vector<10000xf32>
    %broadcast_in_dim3A_31 = vector.shape_cast %rsqrt3A : vector<10000xf32> to vector<10000x1xf32>
    %max3A = arith.constant 0.000000e+00 : f32
    %max3A_32 = vector.broadcast %max3A : f32 to vector<10000x128xf32>
    %max3A_33 = arith.maximumf %add3A_18, %max3A_32 : vector<10000x128xf32>
    %mul3A = vector.broadcast %broadcast_in_dim3A_31 : vector<10000x1xf32> to vector<10000x128xf32>
    %mul3A_34 = arith.mulf %mul3A, %max3A_33 : vector<10000x128xf32>
    %swap3A = arith.constant 0 : index
    %swap3A_35 = arith.constant 0 : index
    %swap3A_36 = vector.load %arg7[%swap3A, %swap3A_35] : memref<10240x128xf32, #tpu.memory_space<vmem>>, vector<10000x128xf32>
    tpu.vector_store %arg7[%swap3A, %swap3A_35], %mul3A_34 {strides = array<i32>} : memref<10240x128xf32, #tpu.memory_space<vmem>>, vector<10000x128xf32>,
    %broadcast_in_dim3A_37 = arith.constant 0.000000e+00 : f32
    %broadcast_in_dim3A_38 = vector.broadcast %broadcast_in_dim3A_37 : f32 to vector<240x128xf32>
    %swap3A_39 = arith.constant 10000 : index
    %swap3A_40 = arith.constant 0 : index
    %swap3A_41 = vector.load %arg7[%swap3A_39, %swap3A_40] : memref<10240x128xf32, #tpu.memory_space<vmem>>, vector<240x128xf32>
    tpu.vector_store %arg7[%swap3A_39, %swap3A_40], %broadcast_in_dim3A_38 {strides = array<i32>} : memref<10240x128xf32, #tpu.memory_space<vmem>>, vector<240x128xf32>,
    %get3A_42 = arith.constant 0 : index
    %get3A_43 = arith.constant 0 : index
    %get3A_44 = vector.load %arg5[%get3A_42, %get3A_43] : memref<1x128xf32, #tpu.memory_space<vmem>>, vector<1x128xf32>
    %add3A_45 = vector.broadcast %get3A_44 : vector<1x128xf32> to vector<10000x128xf32>
    %add3A_46 = arith.addf %add3A_18, %add3A_45 : vector<10000x128xf32>
    %max3A_47 = arith.constant 0.000000e+00 : f32
    %max3A_48 = vector.broadcast %max3A_47 : f32 to vector<10000x128xf32>
    %max3A_49 = arith.maximumf %add3A_46, %max3A_48 : vector<10000x128xf32>
    %broadcast_in_dim3A_50 = vector.shape_cast %add3A_30 : vector<10000xf32> to vector<10000x1xf32>
    %div3A = vector.broadcast %broadcast_in_dim3A_50 : vector<10000x1xf32> to vector<10000x128xf32>
    %div3A_51 = arith.divf %max3A_49, %div3A : vector<10000x128xf32>
    %swap3A_52 = arith.constant 0 : index
    %swap3A_53 = arith.constant 0 : index
    %swap3A_54 = vector.load %arg8[%swap3A_52, %swap3A_53] : memref<10000x128xf32, #tpu.memory_space<vmem>>, vector<10000x128xf32>
    tpu.vector_store %arg8[%swap3A_52, %swap3A_53], %div3A_51 {strides = array<i32>} : memref<10000x128xf32, #tpu.memory_space<vmem>>, vector<10000x128xf32>,
    %swap3A_55 = arith.constant 0 : index
    %swap3A_56 = vector.load %arg9[%swap3A_55] : memref<10000xf32, #tpu.memory_space<vmem>>, vector<10000xf32>
    tpu.vector_store %arg9[%swap3A_55], %rsqrt3A {strides = array<i32>} : memref<10000xf32, #tpu.memory_space<vmem>>, vector<10000xf32>,
    %swap3A_57 = arith.constant 0 : index
    %swap3A_58 = vector.load %arg10[%swap3A_57] : memref<10000xf32, #tpu.memory_space<vmem>>, vector<10000xf32>
    tpu.vector_store %arg10[%swap3A_57], %add3A_30 {strides = array<i32>} : memref<10000xf32, #tpu.memory_space<vmem>>, vector<10000xf32>,
    return
  }
}

module attributes {stable_mosaic.version = 14 : i64} {
  func.func @_tc_mid(%arg0: memref<2x10240x128xf32, #tpu.memory_space<vmem>>, %arg1: memref<10000x128xf32, #tpu.memory_space<vmem>>, %arg2: memref<10000xf32, #tpu.memory_space<vmem>>, %arg3: memref<10000xf32, #tpu.memory_space<vmem>>, %arg4: memref<128xf32, #tpu.memory_space<vmem>>, %arg5: memref<128xf32, #tpu.memory_space<vmem>>, %arg6: memref<128x128xf32, #tpu.memory_space<vmem>>, %arg7: memref<128xf32, #tpu.memory_space<vmem>>, %arg8: memref<1x128xf32, #tpu.memory_space<vmem>>, %arg9: memref<10240x128xf32, #tpu.memory_space<vmem>>, %arg10: memref<10000x128xf32, #tpu.memory_space<vmem>>) attributes {dimension_semantics = [], scalar_prefetch = 0 : i64, scratch_operands = 0 : i64, tpu.core_type = #tpu.core_type<tc>} {
    %get3A = arith.constant 0 : index
    %get3A_0 = vector.load %arg2[%get3A] : memref<10000xf32, #tpu.memory_space<vmem>>, vector<10000xf32>
    %broadcast_in_dim3A = vector.shape_cast %get3A_0 : vector<10000xf32> to vector<10000x1xf32>
    %get3A_1 = arith.constant 0 : index
    %get3A_2 = arith.constant 0 : index
    %get3A_3 = arith.constant 0 : index
    %get3A_4 = vector.load %arg0[%get3A_1, %get3A_2, %get3A_3] : memref<2x10240x128xf32, #tpu.memory_space<vmem>>, vector<1x10000x128xf32>
    %get3A_5 = vector.shape_cast %get3A_4 : vector<1x10000x128xf32> to vector<10000x128xf32>
    %get3A_6 = arith.constant 1 : index
    %get3A_7 = arith.constant 0 : index
    %get3A_8 = arith.constant 0 : index
    %get3A_9 = vector.load %arg0[%get3A_6, %get3A_7, %get3A_8] : memref<2x10240x128xf32, #tpu.memory_space<vmem>>, vector<1x10000x128xf32>
    %get3A_10 = vector.shape_cast %get3A_9 : vector<1x10000x128xf32> to vector<10000x128xf32>
    %add3A = arith.addf %get3A_5, %get3A_10 : vector<10000x128xf32>
    %mul3A = vector.broadcast %broadcast_in_dim3A : vector<10000x1xf32> to vector<10000x128xf32>
    %mul3A_11 = arith.mulf %mul3A, %add3A : vector<10000x128xf32>
    %get3A_12 = arith.constant 0 : index
    %get3A_13 = arith.constant 0 : index
    %get3A_14 = vector.load %arg1[%get3A_12, %get3A_13] : memref<10000x128xf32, #tpu.memory_space<vmem>>, vector<10000x128xf32>
    %add3A_15 = arith.addf %mul3A_11, %get3A_14 : vector<10000x128xf32>
    %reduce_sum3A = arith.constant dense<0.000000e+00> : vector<128xf32>
    %reduce_sum3A_16 = vector.multi_reduction <add>, %add3A_15, %reduce_sum3A [0] : vector<10000x128xf32> to vector<128xf32>
    %div3A = arith.constant 1.000000e+04 : f32
    %div3A_17 = vector.broadcast %div3A : f32 to vector<128xf32>
    %div3A_18 = arith.divf %reduce_sum3A_16, %div3A_17 : vector<128xf32>
    %broadcast_in_dim3A_19 = vector.shape_cast %div3A_18 : vector<128xf32> to vector<1x128xf32>
    %sub3A = vector.broadcast %broadcast_in_dim3A_19 : vector<1x128xf32> to vector<10000x128xf32>
    %sub3A_20 = arith.subf %add3A_15, %sub3A : vector<10000x128xf32>
    %integer_pow3A = arith.mulf %sub3A_20, %sub3A_20 : vector<10000x128xf32>
    %reduce_sum3A_21 = arith.constant dense<0.000000e+00> : vector<128xf32>
    %reduce_sum3A_22 = vector.multi_reduction <add>, %integer_pow3A, %reduce_sum3A_21 [0] : vector<10000x128xf32> to vector<128xf32>
    %div3A_23 = arith.constant 1.000000e+04 : f32
    %div3A_24 = vector.broadcast %div3A_23 : f32 to vector<128xf32>
    %div3A_25 = arith.divf %reduce_sum3A_22, %div3A_24 : vector<128xf32>
    %get3A_26 = arith.constant 0 : index
    %get3A_27 = vector.load %arg4[%get3A_26] : memref<128xf32, #tpu.memory_space<vmem>>, vector<128xf32>
    %broadcast_in_dim3A_28 = vector.shape_cast %div3A_18 : vector<128xf32> to vector<1x128xf32>
    %sub3A_29 = vector.broadcast %broadcast_in_dim3A_28 : vector<1x128xf32> to vector<10000x128xf32>
    %sub3A_30 = arith.subf %add3A_15, %sub3A_29 : vector<10000x128xf32>
    %broadcast_in_dim3A_31 = vector.shape_cast %get3A_27 : vector<128xf32> to vector<1x128xf32>
    %mul3A_32 = vector.broadcast %broadcast_in_dim3A_31 : vector<1x128xf32> to vector<10000x128xf32>
    %mul3A_33 = arith.mulf %mul3A_32, %sub3A_30 : vector<10000x128xf32>
    %add3A_34 = arith.constant 9.99999974E-6 : f32
    %add3A_35 = vector.broadcast %add3A_34 : f32 to vector<128xf32>
    %add3A_36 = arith.addf %div3A_25, %add3A_35 : vector<128xf32>
    %sqrt3A = math.sqrt %add3A_36 : vector<128xf32>
    %broadcast_in_dim3A_37 = vector.shape_cast %sqrt3A : vector<128xf32> to vector<1x128xf32>
    %div3A_38 = vector.broadcast %broadcast_in_dim3A_37 : vector<1x128xf32> to vector<10000x128xf32>
    %div3A_39 = arith.divf %mul3A_33, %div3A_38 : vector<10000x128xf32>
    %get3A_40 = arith.constant 0 : index
    %get3A_41 = vector.load %arg5[%get3A_40] : memref<128xf32, #tpu.memory_space<vmem>>, vector<128xf32>
    %broadcast_in_dim3A_42 = vector.shape_cast %get3A_41 : vector<128xf32> to vector<1x128xf32>
    %add3A_43 = vector.broadcast %broadcast_in_dim3A_42 : vector<1x128xf32> to vector<10000x128xf32>
    %add3A_44 = arith.addf %div3A_39, %add3A_43 : vector<10000x128xf32>
    %max3A = arith.constant 0.000000e+00 : f32
    %max3A_45 = vector.broadcast %max3A : f32 to vector<10000x128xf32>
    %max3A_46 = arith.maximumf %add3A_44, %max3A_45 : vector<10000x128xf32>
    %get3A_47 = arith.constant 0 : index
    %get3A_48 = arith.constant 0 : index
    %get3A_49 = vector.load %arg6[%get3A_47, %get3A_48] : memref<128x128xf32, #tpu.memory_space<vmem>>, vector<128x128xf32>
    %dot_general3A = arith.constant dense<0.000000e+00> : vector<10000x128xf32>
    %dot_general3A_50 = tpu.matmul %max3A_46, %get3A_49, %dot_general3A {dimension_numbers = #tpu.dot_dimension_numbers<[1], [0], [0], [1], [0, 0, 1, 1], [], []>, transpose_lhs_hint = false} : vector<10000x128xf32>, vector<128x128xf32>, vector<10000x128xf32> -> vector<10000x128xf32>
    %get3A_51 = arith.constant 0 : index
    %get3A_52 = vector.load %arg7[%get3A_51] : memref<128xf32, #tpu.memory_space<vmem>>, vector<128xf32>
    %broadcast_in_dim3A_53 = vector.shape_cast %get3A_52 : vector<128xf32> to vector<1x128xf32>
    %add3A_54 = vector.broadcast %broadcast_in_dim3A_53 : vector<1x128xf32> to vector<10000x128xf32>
    %add3A_55 = arith.addf %dot_general3A_50, %add3A_54 : vector<10000x128xf32>
    %broadcast_in_dim3A_56 = vector.shape_cast %get3A_0 : vector<10000xf32> to vector<10000x1xf32>
    %max3A_57 = arith.constant 0.000000e+00 : f32
    %max3A_58 = vector.broadcast %max3A_57 : f32 to vector<10000x128xf32>
    %max3A_59 = arith.maximumf %add3A_55, %max3A_58 : vector<10000x128xf32>
    %mul3A_60 = vector.broadcast %broadcast_in_dim3A_56 : vector<10000x1xf32> to vector<10000x128xf32>
    %mul3A_61 = arith.mulf %mul3A_60, %max3A_59 : vector<10000x128xf32>
    %swap3A = arith.constant 0 : index
    %swap3A_62 = arith.constant 0 : index
    %swap3A_63 = vector.load %arg9[%swap3A, %swap3A_62] : memref<10240x128xf32, #tpu.memory_space<vmem>>, vector<10000x128xf32>
    tpu.vector_store %arg9[%swap3A, %swap3A_62], %mul3A_61 {strides = array<i32>} : memref<10240x128xf32, #tpu.memory_space<vmem>>, vector<10000x128xf32>,
    %broadcast_in_dim3A_64 = arith.constant 0.000000e+00 : f32
    %broadcast_in_dim3A_65 = vector.broadcast %broadcast_in_dim3A_64 : f32 to vector<240x128xf32>
    %swap3A_66 = arith.constant 10000 : index
    %swap3A_67 = arith.constant 0 : index
    %swap3A_68 = vector.load %arg9[%swap3A_66, %swap3A_67] : memref<10240x128xf32, #tpu.memory_space<vmem>>, vector<240x128xf32>
    tpu.vector_store %arg9[%swap3A_66, %swap3A_67], %broadcast_in_dim3A_65 {strides = array<i32>} : memref<10240x128xf32, #tpu.memory_space<vmem>>, vector<240x128xf32>,
    %get3A_69 = arith.constant 0 : index
    %get3A_70 = arith.constant 0 : index
    %get3A_71 = vector.load %arg8[%get3A_69, %get3A_70] : memref<1x128xf32, #tpu.memory_space<vmem>>, vector<1x128xf32>
    %add3A_72 = vector.broadcast %get3A_71 : vector<1x128xf32> to vector<10000x128xf32>
    %add3A_73 = arith.addf %add3A_55, %add3A_72 : vector<10000x128xf32>
    %max3A_74 = arith.constant 0.000000e+00 : f32
    %max3A_75 = vector.broadcast %max3A_74 : f32 to vector<10000x128xf32>
    %max3A_76 = arith.maximumf %add3A_73, %max3A_75 : vector<10000x128xf32>
    %get3A_77 = arith.constant 0 : index
    %get3A_78 = vector.load %arg3[%get3A_77] : memref<10000xf32, #tpu.memory_space<vmem>>, vector<10000xf32>
    %broadcast_in_dim3A_79 = vector.shape_cast %get3A_78 : vector<10000xf32> to vector<10000x1xf32>
    %div3A_80 = vector.broadcast %broadcast_in_dim3A_79 : vector<10000x1xf32> to vector<10000x128xf32>
    %div3A_81 = arith.divf %max3A_76, %div3A_80 : vector<10000x128xf32>
    %swap3A_82 = arith.constant 0 : index
    %swap3A_83 = arith.constant 0 : index
    %swap3A_84 = vector.load %arg10[%swap3A_82, %swap3A_83] : memref<10000x128xf32, #tpu.memory_space<vmem>>, vector<10000x128xf32>
    tpu.vector_store %arg10[%swap3A_82, %swap3A_83], %div3A_81 {strides = array<i32>} : memref<10000x128xf32, #tpu.memory_space<vmem>>, vector<10000x128xf32>,
    return
  }
}

module attributes {stable_mosaic.version = 14 : i64} {
  func.func @_tc_final(%arg0: memref<2x10240x128xf32, #tpu.memory_space<vmem>>, %arg1: memref<10000x128xf32, #tpu.memory_space<vmem>>, %arg2: memref<10000xf32, #tpu.memory_space<vmem>>, %arg3: memref<128xf32, #tpu.memory_space<vmem>>, %arg4: memref<128xf32, #tpu.memory_space<vmem>>, %arg5: memref<10000x128xf32, #tpu.memory_space<vmem>>) attributes {dimension_semantics = [], scalar_prefetch = 0 : i64, scratch_operands = 0 : i64, tpu.core_type = #tpu.core_type<tc>} {
    %get3A = arith.constant 0 : index
    %get3A_0 = vector.load %arg2[%get3A] : memref<10000xf32, #tpu.memory_space<vmem>>, vector<10000xf32>
    %broadcast_in_dim3A = vector.shape_cast %get3A_0 : vector<10000xf32> to vector<10000x1xf32>
    %get3A_1 = arith.constant 0 : index
    %get3A_2 = arith.constant 0 : index
    %get3A_3 = arith.constant 0 : index
    %get3A_4 = vector.load %arg0[%get3A_1, %get3A_2, %get3A_3] : memref<2x10240x128xf32, #tpu.memory_space<vmem>>, vector<1x10000x128xf32>
    %get3A_5 = vector.shape_cast %get3A_4 : vector<1x10000x128xf32> to vector<10000x128xf32>
    %get3A_6 = arith.constant 1 : index
    %get3A_7 = arith.constant 0 : index
    %get3A_8 = arith.constant 0 : index
    %get3A_9 = vector.load %arg0[%get3A_6, %get3A_7, %get3A_8] : memref<2x10240x128xf32, #tpu.memory_space<vmem>>, vector<1x10000x128xf32>
    %get3A_10 = vector.shape_cast %get3A_9 : vector<1x10000x128xf32> to vector<10000x128xf32>
    %add3A = arith.addf %get3A_5, %get3A_10 : vector<10000x128xf32>
    %mul3A = vector.broadcast %broadcast_in_dim3A : vector<10000x1xf32> to vector<10000x128xf32>
    %mul3A_11 = arith.mulf %mul3A, %add3A : vector<10000x128xf32>
    %get3A_12 = arith.constant 0 : index
    %get3A_13 = arith.constant 0 : index
    %get3A_14 = vector.load %arg1[%get3A_12, %get3A_13] : memref<10000x128xf32, #tpu.memory_space<vmem>>, vector<10000x128xf32>
    %add3A_15 = arith.addf %mul3A_11, %get3A_14 : vector<10000x128xf32>
    %reduce_sum3A = arith.constant dense<0.000000e+00> : vector<128xf32>
    %reduce_sum3A_16 = vector.multi_reduction <add>, %add3A_15, %reduce_sum3A [0] : vector<10000x128xf32> to vector<128xf32>
    %div3A = arith.constant 1.000000e+04 : f32
    %div3A_17 = vector.broadcast %div3A : f32 to vector<128xf32>
    %div3A_18 = arith.divf %reduce_sum3A_16, %div3A_17 : vector<128xf32>
    %broadcast_in_dim3A_19 = vector.shape_cast %div3A_18 : vector<128xf32> to vector<1x128xf32>
    %sub3A = vector.broadcast %broadcast_in_dim3A_19 : vector<1x128xf32> to vector<10000x128xf32>
    %sub3A_20 = arith.subf %add3A_15, %sub3A : vector<10000x128xf32>
    %integer_pow3A = arith.mulf %sub3A_20, %sub3A_20 : vector<10000x128xf32>
    %reduce_sum3A_21 = arith.constant dense<0.000000e+00> : vector<128xf32>
    %reduce_sum3A_22 = vector.multi_reduction <add>, %integer_pow3A, %reduce_sum3A_21 [0] : vector<10000x128xf32> to vector<128xf32>
    %div3A_23 = arith.constant 1.000000e+04 : f32
    %div3A_24 = vector.broadcast %div3A_23 : f32 to vector<128xf32>
    %div3A_25 = arith.divf %reduce_sum3A_22, %div3A_24 : vector<128xf32>
    %get3A_26 = arith.constant 0 : index
    %get3A_27 = vector.load %arg3[%get3A_26] : memref<128xf32, #tpu.memory_space<vmem>>, vector<128xf32>
    %broadcast_in_dim3A_28 = vector.shape_cast %div3A_18 : vector<128xf32> to vector<1x128xf32>
    %sub3A_29 = vector.broadcast %broadcast_in_dim3A_28 : vector<1x128xf32> to vector<10000x128xf32>
    %sub3A_30 = arith.subf %add3A_15, %sub3A_29 : vector<10000x128xf32>
    %broadcast_in_dim3A_31 = vector.shape_cast %get3A_27 : vector<128xf32> to vector<1x128xf32>
    %mul3A_32 = vector.broadcast %broadcast_in_dim3A_31 : vector<1x128xf32> to vector<10000x128xf32>
    %mul3A_33 = arith.mulf %mul3A_32, %sub3A_30 : vector<10000x128xf32>
    %add3A_34 = arith.constant 9.99999974E-6 : f32
    %add3A_35 = vector.broadcast %add3A_34 : f32 to vector<128xf32>
    %add3A_36 = arith.addf %div3A_25, %add3A_35 : vector<128xf32>
    %sqrt3A = math.sqrt %add3A_36 : vector<128xf32>
    %broadcast_in_dim3A_37 = vector.shape_cast %sqrt3A : vector<128xf32> to vector<1x128xf32>
    %div3A_38 = vector.broadcast %broadcast_in_dim3A_37 : vector<1x128xf32> to vector<10000x128xf32>
    %div3A_39 = arith.divf %mul3A_33, %div3A_38 : vector<10000x128xf32>
    %get3A_40 = arith.constant 0 : index
    %get3A_41 = vector.load %arg4[%get3A_40] : memref<128xf32, #tpu.memory_space<vmem>>, vector<128xf32>
    %broadcast_in_dim3A_42 = vector.shape_cast %get3A_41 : vector<128xf32> to vector<1x128xf32>
    %add3A_43 = vector.broadcast %broadcast_in_dim3A_42 : vector<1x128xf32> to vector<10000x128xf32>
    %add3A_44 = arith.addf %div3A_39, %add3A_43 : vector<10000x128xf32>
    %swap3A = arith.constant 0 : index
    %swap3A_45 = arith.constant 0 : index
    %swap3A_46 = vector.load %arg5[%swap3A, %swap3A_45] : memref<10000x128xf32, #tpu.memory_space<vmem>>, vector<10000x128xf32>
    tpu.vector_store %arg5[%swap3A, %swap3A_45], %add3A_44 {strides = array<i32>} : memref<10000x128xf32, #tpu.memory_space<vmem>>, vector<10000x128xf32>,
    return
  }
}

</mosaic_0001>

<sc_bundles>
// kernel: kernel.10.cloned.1.call-start
scs
__scs_entry_jumppad:
0x0: {  	(pc) =	sbr.rel $0x88, $3  }
0x1: {  	(tag) =	ssettag $0x0;
	lr =	simm.s32 $0x1  }
0x2: {  	[smem:$0x3F8E] =	sst lr;
	_ =	strace $0xD0000000  }
0x3: {  	_ = 	snop  }
0x4: {  	_ = 	snop  }
0x5: {  	_ = 	snop  }
0x6: {  	_ = 	snop  }
0x7: {  	_ = 	snop  }
__scs_overlays_trampoline_lowered:
0x8: {  	[smem:$0x3F9D] =	sst s0  }
0x9: {  	[smem:$0x3F9E] =	sst s1  }
0xa: {  	[smem:$0x3F9F] =	sst s2  }
0xb: {  	[smem:$0x3FA0] =	sst s3  }
0xc: {  	[smem:$0x3FA1] =	sst s4  }
0xd: {  	[smem:$0x3FA2] =	sst s5  }
0xe: {  	[smem:$0x3FA3] =	sst s6  }
0xf: {  	[smem:$0x3FA4] =	sst s7  }
0x10: {  	[smem:$0x3FA5] =	sst s8  }
0x11: {  	[smem:$0x3FA6] =	sst s9;
	s0 =	simm.s32 @!p0 $0x0  }
0x12: {  	s1 =	sld [smem:$0x3F8C];
	s0 =	simm.s32 @p0 $0x1  }
0x13: {  	[smem:$0x3FA7] =	sst s0;
	s0 =	simm.s32 @!p1 $0x0  }
0x14: {  	s2 =	sld [smem:$0x3F8B];
	s0 =	simm.s32 @p1 $0x1  }
0x15: {  	[smem:$0x3FA8] =	sst s0;
	s0 =	simm.s32 @!p2 $0x0  }
0x16: {  	s3 =	sld [smem:$0x3FDB];
	s0 =	simm.s32 @p2 $0x1  }
0x17: {  	s4 =	simm.s32 $0x1BF5;
	[smem:$0x3FAA] =	sst s0  }
0x18: {  	s0 =	sld [smem:$0x3F8D];
	_ =	swait.ge [sflag:s4], $0x0  }
0x19: {  	s7 =	sld [smem:$0x3F8E]  }
0x1a: {  	s8 =	sadd.s32 $0xFFFFE003, lr  }
0x1b: {  	s9 =	sadd.s32 $0xFFFFFEF7, lr;
	s5 =	simm.s32 $0xFFFFFFFF;
	p2 =	slt.u32 s8, $0xFFFFF086  }
0x1c: {  	p1 =	slt.u32 s9, $0xF7A;
	s5 =	simm.s32 @!p2 $0x0  }
0x1d: {  	s5 =	simm.s32 @p1 $0x1;
	p0 =	seq.s32 s7, s2  }
0x1e: {  	s7 =	smul.u32 @!p0 $0xF7A, s2;
	p2 =	seq.s32 @!p0 s5, $0x0  }
0x1f: {  	s9 =	smul.u32 $0xF7A, s1;
	s8 =	simm.s32 @!p0 $0x1BF5;
	p2 =	por !p2, p0  }
0x20: {  	[sflag:s8] =	ssyncset.s32 @!p0 $0xFFFFF086;
	s6 =	sadd.s32 @!p0 s3, s7;
	s7 =	simm.s32 @!p0 $0x108  }
0x21: {  	s3 =	sadd.s32 s3, s9;
	s6 =	sadd.s32 @!p0 $0x88, s6;
	s7 =	simm.s32 @p2 $0x1082  }
0x22: {  	[simem:s7], [sflag:s8] =	dma.local @!p0 [hbm:s6], $0xF7A  }
0x23: {  	s9 =	sor.u32 $0xD0000000, s2;
	s6 =	simm.s32 $0x108;
	_ =	swait.ge @!p0 [sflag:s8], $0x0  }
0x24: {  	s3 =	sadd.s32 $0x88, s3;
	s6 =	simm.s32 @!p1 $0x1082;
	[sflag:s4] =	ssyncset.s32 $0xFFFFF086  }
0x25: {  	[simem:s6], [sflag:s4] =	dma.local [hbm:s3], $0xF7A  }
0x26: {  	[smem:$0x3F8E] =	sst s1;
	(tag) =	ssettag s2;
	_ =	strace s9  }
0x27: {  	s1 =	sld [smem:$0x3F9E]  }
0x28: {  	s2 =	sld [smem:$0x3F9F]  }
0x29: {  	s4 =	sld [smem:$0x3FA1]  }
0x2a: {  	p0 =	seq.s32 s5, $0x0;
	s5 =	sld [smem:$0x3FA2]  }
0x2b: {  	s6 =	sld [smem:$0x3FA3]  }
0x2c: {  	s7 =	sld [smem:$0x3FA4]  }
0x2d: {  	s3 =	simm.s32 $0x108;
	s8 =	sld [smem:$0x3FA5]  }
0x2e: {  	s3 =	simm.s32 @!p0 $0x1082;
	s9 =	sld [smem:$0x3FA6]  }
0x2f: {  	lr =	sadd.s32 s0, s3;
	s0 =	sld [smem:$0x3F9D]  }
0x30: {  	s3 =	sld [smem:$0x3FA0]  }
0x31: {  	[smem:$0x3FA9] =	sst s10  }
0x32: {  	s10 =	sld [smem:$0x3FA7];
	_ =	sdelay $0x3  }
0x33: {  	p0 =	seq.s32 s10, $0x1;
	s10 =	sld [smem:$0x3FA9];
	_ =	sdelay $0x3  }
0x34: {  	[smem:$0x3FA9] =	sst s10  }
0x35: {  	s10 =	sld [smem:$0x3FA8];
	_ =	sdelay $0x3  }
0x36: {  	p1 =	seq.s32 s10, $0x1;
	s10 =	sld [smem:$0x3FA9];
	_ =	sdelay $0x3  }
0x37: {  	[smem:$0x3FA9] =	sst s10  }
0x38: {  	s10 =	sld [smem:$0x3FAA]  }
0x39: {  	_ = 	snop;
	(pc) =	sbr.ind lr, $3  }
0x3a: {  	_ = 	snop  }
0x3b: {  	_ = 	snop  }
0x3c: {  	p2 =	seq.s32 s10, $0x1;
	s10 =	sld [smem:$0x3FA9]  }
0x3d: {  	_ =	shalt  }
0x3e: {  	_ =	shalt  }
0x3f: {  	_ =	shalt  }
0x40: {  	_ =	shalt  }
0x41: {  	_ =	shalt  }
0x42: {  	_ =	shalt  }
0x43: {  	_ =	shalt  }
0x44: {  	_ =	shalt  }
0x45: {  	_ =	shalt  }
0x46: {  	_ =	shalt  }
0x47: {  	_ =	shalt  }
0x48: {  	_ =	shalt  }
0x49: {  	_ =	shalt  }
0x4a: {  	_ =	shalt  }
0x4b: {  	_ =	shalt  }
0x4c: {  	_ =	shalt  }
0x4d: {  	_ =	shalt  }
0x4e: {  	_ =	shalt  }
0x4f: {  	_ =	shalt  }
0x50: {  	_ =	shalt  }
0x51: {  	_ =	shalt  }
0x52: {  	_ =	shalt  }
0x53: {  	_ =	shalt  }
0x54: {  	_ =	shalt  }
0x55: {  	_ =	shalt  }
0x56: {  	_ =	shalt  }
0x57: {  	_ =	shalt  }
0x58: {  	_ =	shalt  }
0x59: {  	_ =	shalt  }
0x5a: {  	_ =	shalt  }
0x5b: {  	_ =	shalt  }
0x5c: {  	_ =	shalt  }
0x5d: {  	_ =	shalt  }
0x5e: {  	_ =	shalt  }
0x5f: {  	_ =	shalt  }
0x60: {  	_ =	shalt  }
0x61: {  	_ =	shalt  }
0x62: {  	_ =	shalt  }
0x63: {  	_ =	shalt  }
0x64: {  	_ =	shalt  }
0x65: {  	_ =	shalt  }
0x66: {  	_ =	shalt  }
0x67: {  	_ =	shalt  }
0x68: {  	_ =	shalt  }
0x69: {  	_ =	shalt  }
0x6a: {  	_ =	shalt  }
0x6b: {  	_ =	shalt  }
0x6c: {  	_ =	shalt  }
0x6d: {  	_ =	shalt  }
0x6e: {  	_ =	shalt  }
0x6f: {  	_ =	shalt  }
0x70: {  	_ =	shalt  }
0x71: {  	_ =	shalt  }
0x72: {  	_ =	shalt  }
0x73: {  	_ =	shalt  }
0x74: {  	_ =	shalt  }
0x75: {  	_ =	shalt  }
0x76: {  	_ =	shalt  }
0x77: {  	_ =	shalt  }
0x78: {  	_ =	shalt  }
0x79: {  	_ =	shalt  }
0x7a: {  	_ =	shalt  }
0x7b: {  	_ =	shalt  }
0x7c: {  	_ =	shalt  }
0x7d: {  	_ =	shalt  }
0x7e: {  	_ =	shalt  }
0x7f: {  	_ =	shalt  }
0x80: {  	_ =	shalt  }
0x81: {  	_ =	shalt  }
0x82: {  	_ =	shalt  }
0x83: {  	_ =	shalt  }
0x84: {  	_ =	shalt  }
0x85: {  	_ =	shalt  }
0x86: {  	_ =	shalt  }
0x87: {  	_ =	shalt  }
.Lfunc_end0:
.L_simem_size_0:
called_computation_lowered:
.L_overlay_start_0:
0x88: {  	s2 =	sld [smem:$0x3FD9]  }
0x89: {  	s3 =	sld [smem:$0x3FFE];
	_ =	sdelay $0x1  }
0x8a: {  	s1 =	srdreg.scid  }
0x8b: {  	s0 =	sand.u32 $0x1, s1  }
0x8c: {  	s16 =	sshll.u32 s0, $0xA;
	s2 =	sadd.s32 s3, s2  }
0x8d: {  	s2 =	sadd.s32 s2, s16  }
0x8e: {  	[smem:$0x3FB5] =	sst s2  }
0x8f: {  	_ = 	snop  }
0x90: {  	(tm) =	ssettm $0x1  }
0x91: {  	s17 =	sld [smem:$0x3FFB];
	_ =	sdelay $0x3  }
0x92: {  	_ =	strace s17  }
0x93: {  	s2 =	sld [smem:$0x3FFC];
	_ =	sdelay $0x3  }
0x94: {  	_ =	strace s2  }
0x95: {  	s2 =	sld [smem:$0x3FFD];
	_ =	sdelay $0x3  }
0x96: {  	_ =	strace s2  }
0x97: {  	_ =	strace $0x8FFFFFFF  }
0x98: {  	s18 =	sld [smem:$0x3FDB];
	_ =	sdelay $0x1  }
0x99: {  	s19 =	simm.s32 $_scs_section_size  }
0x9a: {  	s4 =	simm.s32 $_size__tile_overlayer_lowered;
	s5 =	simm.s32 $_tile_overlayer_lowered  }
0x9b: {  	s22 =	simm.s32 $0x1BFF;
	s21 =	sshll.u32 s5, $0x1;
	s2 =	sadd.s32 s19, s18  }
0x9c: {  	s6 =	simm.s32 $0x0;
	s20 =	sshll.u32 s4, $0x1;
	s4 =	sadd.s32 s21, s2  }
0x9d: {  	[timem:s6], [sflag:s22] =	dma.local [hbm:s4], s20  }
0x9e: {  	_ =	swait.ge [sflag:s22], s20  }
0x9f: {  	s3 =	ssub.s32 $0x0, s20;
	[sflag:s22] =	ssyncset.done $0x0  }
0xa0: {  	[sflag:s22] =	ssyncadd.s32 s3;
	_ =	sdelay $0x1  }
0xa1: {  	s23 =	simm.s32 $0x1B8B  }
0xa2: {  	_ =	swait.ge [sflag:s23], $0x1  }
0xa3: {  	[sflag:s23] =	ssyncset.done $0x0  }
0xa4: {  	s25 =	simm.s32 $0x1B8E;
	s24 =	sld [smem:$0x3FFE];
	[sflag:s23] =	ssyncadd.s32 $0xFFFFFFFF  }
0xa5: {  	s26 =	simm.s32 $execute0_lowered;
	[smem:$0x3FD2] =	sst s25  }
0xa6: {  	s4 =	sshll.u32 s26, $0x1;
	_ =	strace $0x80000046;
	[dreg:$0x1] =	wrdreg $0xFFFFFFFF  }
0xa7: {  	s28 =	simm.s32 $_size_execute0_lowered;
	s2 =	sadd.s32 s2, s4;
	[dreg:$0x0] =	wrdreg $0x0  }
0xa8: {  	s4 =	sshll.u32 s28, $0x1;
	[dreg:$0x2] =	wrdreg s2  }
0xa9: {  	[dreg:$0x3] =	wrdreg s4  }
0xaa: {  	[dreg:$0x4] =	wrdreg $0xC0  }
0xab: {  	_ =	task [dreg:s6], $0x5FFFF  }
0xac: {  	[dreg:$0x1] =	wrdreg $0xFFFFFFFF  }
0xad: {  	[dreg:$0x0] =	wrdreg $0x60  }
0xae: {  	[dreg:$0x2] =	wrdreg s24  }
0xaf: {  	[dreg:$0x3] =	wrdreg $0x28800  }
0xb0: {  	[dreg:$0x4] =	wrdreg $0x9  }
0xb1: {  	_ =	task.clear_ibuf [dreg:s6], $0x5FFFF;
	_ =	strace $0x90000046  }
0xb2: {  	s29 =	simm.s32 $0x9;
	_ =	strace $0x80000048  }
0xb3: {  	_ =	swait.ge [sflag:s29], $0x1  }
0xb4: {  	[sflag:s29] =	ssyncadd.s32 $0xFFFFFFFF  }
0xb5: {  	_ =	strace $0x90000048  }
0xb6: {  	_ =	sfence  }
0xb7: {  	s30 =	sld [smem:$0x0];
	_ =	sdelay $0x2  }
0xb8: {  	s31 =	sshll.u32 s1, $0xD;
	s1 =	sshrl.u32 s1, $0x2  }
0xb9: {  	s3 =	sand.u32 $0x4000, s31;
	s1 =	sadd.s32 s1, s30  }
0xba: {  	s0 =	sor.u32 s3, s0;
	s1 =	sshll.u32 s1, $0x11  }
0xbb: {  	s0 =	sor.u32 s1, s0  }
0xbc: {  	s0 =	sadd.s32 $0x8F2B, s0  }
0xbd: {  	[sflag:s0] =	ssyncadd.remote.s32 $0x1  }
0xbe: {  	_ =	sfence.sel $0xFFFF  }
0xbf: {  	[dreg:$0x0] =	wrdreg $0xFFFFFFFF;
	(pc) =	sbr.abs _section_cstart, $3  }
0xc0: {  	[dreg:$0x1] =	wrdreg $0xFFFFFFFF  }
0xc1: {  	_ =	task.clear_ibuf [dreg:s6], $0x2FFFF;
	_ =	strace $0x9FFFFFFF  }
0xc2: {  	(tm) =	ssettm $0x7FFFFFFF  }
0xc3: {  	_ =	shalt  }
tec
execute0_lowered:
.L_overlay_start_1:
0x0: {  	(tag) =	ssettag $0x1  }
0x1: {  	s1 =	srdreg.scid;
	s6 =	rddreg [dreg:$0x0]  }
0x2: {  	s0 =	stileid.u32;
	s2 =	rddreg [dreg:$0x1];
	s3 =	simm.s32 $0x0  }
0x3: {  	s13 =	simm.s32 $0x80;
	s14 =	simm.s32 $0x20;
	s15 =	simm.s32 $0x10  }
0x4: {  	s16 =	simm.s32 $0x0;
	s5 =	sand.u32 $0x1, s1;
	s1 =	rddreg [dreg:$0x2]  }
0x5: {  	s26 =	sshll.u32 s0, $0x1;
	[smem:$0x7FF] =	sst s3;
	s7 =	smul.u32 $0x500, s0  }
0x6: {  	s10 =	smul.u32 $0xA00, s0;
	s31 =	sshll.u32 s0, $0x6;
	s4 =	sor.u32 s5, s26  }
0x7: {  	_ =	strace $0x80000047;
	s8 =	sshll.u32 s5, $0x7;
	s28 =	ssub.s32 $0x2, s5  }
0x8: {  	s5 =	sadd.s32 $0xE800, s6;
	s4 =	smul.u32 $0x500, s4;
	s7 =	sor.u32 s8, s7  }
0x9: {  	s29 =	sshrl.u32 s28, $0x1;
	s30 =	sshrl.u32 s10, $0x2;
	s7 =	sshrl.u32 s7, $0x3  }
0xa: {  	s12 =	ssub.s32 s28, s29;
	s10 =	sadd.s32 s30, s2;
	s9 =	sadd.s32 s4, s6  }
0xb: {  	s4 =	sadd.s32 $0xE600, s6;
	s11 =	sadd.s32 s7, s6;
	s6 =	sor.u32 $0x1C01, s31  }
0xc: {  	s10 =	sshrl.u32 s10, $0x3;
	s7 =	sadd.s32 $0x4600, s9;
	s8 =	sadd.s32 $0xEA00, s11  }
0xd: {  	s9 =	smax.u32 s12, $0x1;
	s11 =	simm.s32 $0x1;
	s12 =	simm.s32 $0x2800  }
.LBB2_1:
0xe: {  	[spmem:s10], [sflag:s6] =	dma.local [hbm:s5], $0x50  }
0xf: {  	_ =	swait.ge [sflag:s11], $0x50  }
0x10: {  	[sflag:s11] =	ssyncset.done $0x0  }
0x11: {  	[sflag:s11] =	ssyncadd.s32 $0xFFFFFFB0  }
0x12: {  	[tilespmem:s3], [sflag:$0x1] =	stream.linear.gather [hbm4b:s7+s3], $0x2800, $0x38;
	[tilespmem:$0x2B00] =	vst v63  }
0x13: {  	_ =	swait.ge [sflag:s11], $0x2800  }
0x14: {  	[sflag:s11] =	ssyncset.done $0x0  }
0x15: {  	[sflag:s11] =	ssyncadd.s32 $0xFFFFD800  }
0x16: {  	[tilespmem:s12], [sflag:$0x1] =	stream.linear.gather [hbm4b:s4+s3], $0x80, $0x38;
	[tilespmem:$0x2B00] =	vst v63  }
0x17: {  	_ =	swait.ge [sflag:s11], $0x80  }
0x18: {  	[sflag:s11] =	ssyncset.done $0x0  }
0x19: {  	[sflag:s11] =	ssyncadd.s32 $0xFFFFFF80  }
0x1a: {  	s17 =	simm.s32 $0x0;
	[bflag:$0x0] =	sbarrier.arrive $0xFFFF  }
0x1b: {  	[spmem:s2] =	stream.indirect.scatter.add.f32 [tilespmem:s12], [sflag:$0x1], $0x1, s17, s13, $0xb8;
	[tilespmem:$0x2B00] =	vst v63  }
0x1c: {  	_ =	swait.ge [sflag:s11], $0x80  }
0x1d: {  	s17 =	simm.s32 $0x200;
	[sflag:s11] =	ssyncset.done $0x0  }
.LBB2_2:
0x1e: {  	s18 =	sshra.s32 s17, $0x2;
	[sflag:s11] =	ssyncadd.s32 $0xFFFFFF80;
	p0 =	sne.s32 s17, $0x9E00  }
0x1f: {  	[spmem:s2] =	stream.indirect.scatter.add.f32 [tilespmem:s12], [sflag:$0x1], $0x1, s18, s13, $0xb8;
	[tilespmem:$0x2B00] =	vst v63  }
.Ltmp0:
0x20: {  	_ = 	snop;
	(pc) =	sbr.rel @p0 .LBB2_2-.Ltmp0, $4  }
0x21: {  	_ = 	snop  }
0x22: {  	s17 =	sadd.s32 $0x200, s17  }
0x23: {  	_ =	swait.ge [sflag:s11], $0x80  }
0x24: {  	[sflag:s11] =	ssyncset.done $0x0  }
0x25: {  	s16 =	sadd.s32 $0x1, s16  }
0x26: {  	[sflag:s11] =	ssyncadd.s32 $0xFFFFFF80;
	p0 =	sne.s32 s16, s9  }
.Ltmp1:
0x27: {  	[bflag:$0x0] =	sbarrier.arrive $0xFFFF;
	(pc) =	sbr.rel @p0 .LBB2_1-.Ltmp1, $4  }
0x28: {  	[hbm:s8@s14], [sflag:s6] =	dma.strided [spmem:s10@s15], $0x50, s11, $0x10   }
0x29: {  	_ =	swait.ge [sflag:s11], $0x50  }
0x2a: {  	[sflag:s11] =	ssyncset.done $0x0  }
0x2b: {  	[sflag:s11] =	ssyncadd.s32 $0xFFFFFFB0  }
0x2c: {  	_ =	sfence.sel $0x180000  }
0x2d: {  	[bflag:$0x0] =	sbarrier.arrive $0xFFFF  }
0x2e: {  	p0 =	sne.s32 s0, $0x0;
	_ =	strace $0x90000047  }
0x2f: {  	s0 =	sadd.s32 @!p0 $0x100000, s1;
	[bflag:$0x2] =	sbarrier.arrive $0xFFFF  }
0x30: {  	[sflag:s0] =	ssyncadd.tile.s32 @!p0 $0x1;
	_ =	shalt  }
.Lfunc_end2:
_tile_overlayer_lowered:
.L_overlay_start_2:
0x31: {  	(tag) =	ssettag $0x2  }
0x32: {  	s0 =	rddreg [dreg:$0x0];
	s2 =	stileid.u32  }
0x33: {  	s1 =	rddreg [dreg:$0x1];
	p0 =	sne.s32 s2, $0x0  }
0x34: {  	s3 =	rddreg [dreg:$0x2];
	[bflag:$0x3] =	sbarrier.arrive $0xFFFF;
	s2 =	simm.s32 @!p0 $0x1C01  }
0x35: {  	[timem:s3], [sflag:s2] =	dma.local @!p0 [hbm:s0], s1  }
0x36: {  	s0 =	simm.s32 @!p0 $0x1  }
0x37: {  	_ =	swait.ge @!p0 [sflag:s0], s1  }
0x38: {  	s1 =	ssub.s32 @!p0 $0x0, s1;
	[sflag:s0] =	ssyncset.done @!p0 $0x0  }
0x39: {  	[sflag:s0] =	ssyncadd.s32 @!p0 s1  }
0x3a: {  	[bflag:$0x3] =	sbarrier.arrive $0xFFFF  }
0x3b: {  	_ =	shalt  }

// kernel: kernel.13.cloned.1.call-start
scs
__scs_entry_jumppad:
0x0: {  	(pc) =	sbr.rel $0x88, $3  }
0x1: {  	(tag) =	ssettag $0x0;
	lr =	simm.s32 $0x1  }
0x2: {  	[smem:$0x3F8E] =	sst lr;
	_ =	strace $0xD0000000  }
0x3: {  	_ = 	snop  }
0x4: {  	_ = 	snop  }
0x5: {  	_ = 	snop  }
0x6: {  	_ = 	snop  }
0x7: {  	_ = 	snop  }
__scs_overlays_trampoline_lowered:
0x8: {  	[smem:$0x3F9D] =	sst s0  }
0x9: {  	[smem:$0x3F9E] =	sst s1  }
0xa: {  	[smem:$0x3F9F] =	sst s2  }
0xb: {  	[smem:$0x3FA0] =	sst s3  }
0xc: {  	[smem:$0x3FA1] =	sst s4  }
0xd: {  	[smem:$0x3FA2] =	sst s5  }
0xe: {  	[smem:$0x3FA3] =	sst s6  }
0xf: {  	[smem:$0x3FA4] =	sst s7  }
0x10: {  	[smem:$0x3FA5] =	sst s8  }
0x11: {  	[smem:$0x3FA6] =	sst s9;
	s0 =	simm.s32 @!p0 $0x0  }
0x12: {  	s1 =	sld [smem:$0x3F8C];
	s0 =	simm.s32 @p0 $0x1  }
0x13: {  	[smem:$0x3FA7] =	sst s0;
	s0 =	simm.s32 @!p1 $0x0  }
0x14: {  	s2 =	sld [smem:$0x3F8B];
	s0 =	simm.s32 @p1 $0x1  }
0x15: {  	[smem:$0x3FA8] =	sst s0;
	s0 =	simm.s32 @!p2 $0x0  }
0x16: {  	s3 =	sld [smem:$0x3FDB];
	s0 =	simm.s32 @p2 $0x1  }
0x17: {  	s4 =	simm.s32 $0x1BF5;
	[smem:$0x3FAA] =	sst s0  }
0x18: {  	s0 =	sld [smem:$0x3F8D];
	_ =	swait.ge [sflag:s4], $0x0  }
0x19: {  	s7 =	sld [smem:$0x3F8E]  }
0x1a: {  	s8 =	sadd.s32 $0xFFFFE003, lr  }
0x1b: {  	s9 =	sadd.s32 $0xFFFFFEF7, lr;
	s5 =	simm.s32 $0xFFFFFFFF;
	p2 =	slt.u32 s8, $0xFFFFF086  }
0x1c: {  	p1 =	slt.u32 s9, $0xF7A;
	s5 =	simm.s32 @!p2 $0x0  }
0x1d: {  	s5 =	simm.s32 @p1 $0x1;
	p0 =	seq.s32 s7, s2  }
0x1e: {  	s7 =	smul.u32 @!p0 $0xF7A, s2;
	p2 =	seq.s32 @!p0 s5, $0x0  }
0x1f: {  	s9 =	smul.u32 $0xF7A, s1;
	s8 =	simm.s32 @!p0 $0x1BF5;
	p2 =	por !p2, p0  }
0x20: {  	[sflag:s8] =	ssyncset.s32 @!p0 $0xFFFFF086;
	s6 =	sadd.s32 @!p0 s3, s7;
	s7 =	simm.s32 @!p0 $0x108  }
0x21: {  	s3 =	sadd.s32 s3, s9;
	s6 =	sadd.s32 @!p0 $0x88, s6;
	s7 =	simm.s32 @p2 $0x1082  }
0x22: {  	[simem:s7], [sflag:s8] =	dma.local @!p0 [hbm:s6], $0xF7A  }
0x23: {  	s9 =	sor.u32 $0xD0000000, s2;
	s6 =	simm.s32 $0x108;
	_ =	swait.ge @!p0 [sflag:s8], $0x0  }
0x24: {  	s3 =	sadd.s32 $0x88, s3;
	s6 =	simm.s32 @!p1 $0x1082;
	[sflag:s4] =	ssyncset.s32 $0xFFFFF086  }
0x25: {  	[simem:s6], [sflag:s4] =	dma.local [hbm:s3], $0xF7A  }
0x26: {  	[smem:$0x3F8E] =	sst s1;
	(tag) =	ssettag s2;
	_ =	strace s9  }
0x27: {  	s1 =	sld [smem:$0x3F9E]  }
0x28: {  	s2 =	sld [smem:$0x3F9F]  }
0x29: {  	s4 =	sld [smem:$0x3FA1]  }
0x2a: {  	p0 =	seq.s32 s5, $0x0;
	s5 =	sld [smem:$0x3FA2]  }
0x2b: {  	s6 =	sld [smem:$0x3FA3]  }
0x2c: {  	s7 =	sld [smem:$0x3FA4]  }
0x2d: {  	s3 =	simm.s32 $0x108;
	s8 =	sld [smem:$0x3FA5]  }
0x2e: {  	s3 =	simm.s32 @!p0 $0x1082;
	s9 =	sld [smem:$0x3FA6]  }
0x2f: {  	lr =	sadd.s32 s0, s3;
	s0 =	sld [smem:$0x3F9D]  }
0x30: {  	s3 =	sld [smem:$0x3FA0]  }
0x31: {  	[smem:$0x3FA9] =	sst s10  }
0x32: {  	s10 =	sld [smem:$0x3FA7];
	_ =	sdelay $0x3  }
0x33: {  	p0 =	seq.s32 s10, $0x1;
	s10 =	sld [smem:$0x3FA9];
	_ =	sdelay $0x3  }
0x34: {  	[smem:$0x3FA9] =	sst s10  }
0x35: {  	s10 =	sld [smem:$0x3FA8];
	_ =	sdelay $0x3  }
0x36: {  	p1 =	seq.s32 s10, $0x1;
	s10 =	sld [smem:$0x3FA9];
	_ =	sdelay $0x3  }
0x37: {  	[smem:$0x3FA9] =	sst s10  }
0x38: {  	s10 =	sld [smem:$0x3FAA]  }
0x39: {  	_ = 	snop;
	(pc) =	sbr.ind lr, $3  }
0x3a: {  	_ = 	snop  }
0x3b: {  	_ = 	snop  }
0x3c: {  	p2 =	seq.s32 s10, $0x1;
	s10 =	sld [smem:$0x3FA9]  }
0x3d: {  	_ =	shalt  }
0x3e: {  	_ =	shalt  }
0x3f: {  	_ =	shalt  }
0x40: {  	_ =	shalt  }
0x41: {  	_ =	shalt  }
0x42: {  	_ =	shalt  }
0x43: {  	_ =	shalt  }
0x44: {  	_ =	shalt  }
0x45: {  	_ =	shalt  }
0x46: {  	_ =	shalt  }
0x47: {  	_ =	shalt  }
0x48: {  	_ =	shalt  }
0x49: {  	_ =	shalt  }
0x4a: {  	_ =	shalt  }
0x4b: {  	_ =	shalt  }
0x4c: {  	_ =	shalt  }
0x4d: {  	_ =	shalt  }
0x4e: {  	_ =	shalt  }
0x4f: {  	_ =	shalt  }
0x50: {  	_ =	shalt  }
0x51: {  	_ =	shalt  }
0x52: {  	_ =	shalt  }
0x53: {  	_ =	shalt  }
0x54: {  	_ =	shalt  }
0x55: {  	_ =	shalt  }
0x56: {  	_ =	shalt  }
0x57: {  	_ =	shalt  }
0x58: {  	_ =	shalt  }
0x59: {  	_ =	shalt  }
0x5a: {  	_ =	shalt  }
0x5b: {  	_ =	shalt  }
0x5c: {  	_ =	shalt  }
0x5d: {  	_ =	shalt  }
0x5e: {  	_ =	shalt  }
0x5f: {  	_ =	shalt  }
0x60: {  	_ =	shalt  }
0x61: {  	_ =	shalt  }
0x62: {  	_ =	shalt  }
0x63: {  	_ =	shalt  }
0x64: {  	_ =	shalt  }
0x65: {  	_ =	shalt  }
0x66: {  	_ =	shalt  }
0x67: {  	_ =	shalt  }
0x68: {  	_ =	shalt  }
0x69: {  	_ =	shalt  }
0x6a: {  	_ =	shalt  }
0x6b: {  	_ =	shalt  }
0x6c: {  	_ =	shalt  }
0x6d: {  	_ =	shalt  }
0x6e: {  	_ =	shalt  }
0x6f: {  	_ =	shalt  }
0x70: {  	_ =	shalt  }
0x71: {  	_ =	shalt  }
0x72: {  	_ =	shalt  }
0x73: {  	_ =	shalt  }
0x74: {  	_ =	shalt  }
0x75: {  	_ =	shalt  }
0x76: {  	_ =	shalt  }
0x77: {  	_ =	shalt  }
0x78: {  	_ =	shalt  }
0x79: {  	_ =	shalt  }
0x7a: {  	_ =	shalt  }
0x7b: {  	_ =	shalt  }
0x7c: {  	_ =	shalt  }
0x7d: {  	_ =	shalt  }
0x7e: {  	_ =	shalt  }
0x7f: {  	_ =	shalt  }
0x80: {  	_ =	shalt  }
0x81: {  	_ =	shalt  }
0x82: {  	_ =	shalt  }
0x83: {  	_ =	shalt  }
0x84: {  	_ =	shalt  }
0x85: {  	_ =	shalt  }
0x86: {  	_ =	shalt  }
0x87: {  	_ =	shalt  }
.Lfunc_end0:
.L_simem_size_0:
called_computation.1_lowered:
.L_overlay_start_0:
0x88: {  	s2 =	sld [smem:$0x3FD9]  }
0x89: {  	s3 =	sld [smem:$0x3FFE];
	_ =	sdelay $0x1  }
0x8a: {  	s1 =	srdreg.scid  }
0x8b: {  	s0 =	sand.u32 $0x1, s1  }
0x8c: {  	s17 =	sshll.u32 s0, $0xA;
	s2 =	sadd.s32 s3, s2  }
0x8d: {  	s2 =	sadd.s32 s2, s17  }
0x8e: {  	[smem:$0x3FB5] =	sst s2  }
0x8f: {  	_ = 	snop  }
0x90: {  	s2 =	sld [smem:$0x3FD0];
	(tm) =	ssettm $0x1  }
0x91: {  	s18 =	sld [smem:$0x3FFB];
	_ =	sdelay $0x3  }
0x92: {  	_ =	strace s18  }
0x93: {  	s3 =	sld [smem:$0x3FFC];
	_ =	sdelay $0x3  }
0x94: {  	_ =	strace s3  }
0x95: {  	s3 =	sld [smem:$0x3FFD];
	_ =	sdelay $0x3  }
0x96: {  	_ =	strace s3  }
0x97: {  	_ =	strace $0x8FFFFFFF  }
0x98: {  	s19 =	sld [smem:$0x3FDB];
	_ =	sdelay $0x1  }
0x99: {  	s4 =	simm.s32 $_scs_section_size  }
0x9a: {  	s5 =	simm.s32 $_size__tile_overlayer_lowered;
	s6 =	simm.s32 $_tile_overlayer_lowered  }
0x9b: {  	s22 =	simm.s32 $0x1BFF;
	s21 =	sshll.u32 s6, $0x1;
	s3 =	sadd.s32 s4, s19  }
0x9c: {  	s7 =	simm.s32 $0x0;
	s20 =	sshll.u32 s5, $0x1;
	s5 =	sadd.s32 s21, s3  }
0x9d: {  	[timem:s7], [sflag:s22] =	dma.local [hbm:s5], s20  }
0x9e: {  	_ =	swait.ge [sflag:s22], s20  }
0x9f: {  	s4 =	ssub.s32 $0x0, s20;
	[sflag:s22] =	ssyncset.done $0x0  }
0xa0: {  	[sflag:s22] =	ssyncadd.s32 s4;
	_ =	sdelay $0x1  }
0xa1: {  	s23 =	simm.s32 $0x1B8B  }
0xa2: {  	_ =	swait.ge [sflag:s23], $0x1  }
0xa3: {  	[sflag:s23] =	ssyncset.done $0x0  }
0xa4: {  	s25 =	simm.s32 $0x1B8E;
	s24 =	sld [smem:$0x3FFE];
	[sflag:s23] =	ssyncadd.s32 $0xFFFFFFFF  }
0xa5: {  	s26 =	simm.s32 $execute0_lowered;
	[smem:$0x3FD2] =	sst s25  }
0xa6: {  	s5 =	sshll.u32 s26, $0x1;
	_ =	strace $0x80000049;
	[dreg:$0x1] =	wrdreg $0xFFFFFFFF  }
0xa7: {  	s28 =	simm.s32 $_size_execute0_lowered;
	s3 =	sadd.s32 s3, s5;
	[dreg:$0x0] =	wrdreg $0x0  }
0xa8: {  	s5 =	sshll.u32 s28, $0x1;
	[dreg:$0x2] =	wrdreg s3  }
0xa9: {  	[dreg:$0x3] =	wrdreg s5  }
0xaa: {  	[dreg:$0x4] =	wrdreg $0xC0  }
0xab: {  	_ =	task [dreg:s7], $0x5FFFF  }
0xac: {  	[dreg:$0x1] =	wrdreg $0xFFFFFFFF  }
0xad: {  	[dreg:$0x0] =	wrdreg $0x60  }
0xae: {  	[dreg:$0x2] =	wrdreg s24  }
0xaf: {  	[dreg:$0x3] =	wrdreg s2  }
0xb0: {  	[dreg:$0x4] =	wrdreg $0xB8000  }
0xb1: {  	[dreg:$0x5] =	wrdreg $0x9  }
0xb2: {  	_ =	task.clear_ibuf [dreg:s7], $0x6FFFF;
	_ =	strace $0x90000049  }
0xb3: {  	s29 =	simm.s32 $0x9;
	_ =	strace $0x8000004B  }
0xb4: {  	_ =	swait.ge [sflag:s29], $0x1  }
0xb5: {  	[sflag:s29] =	ssyncadd.s32 $0xFFFFFFFF  }
0xb6: {  	_ =	strace $0x9000004B  }
0xb7: {  	_ =	sfence  }
0xb8: {  	s30 =	sld [smem:$0x0];
	_ =	sdelay $0x2  }
0xb9: {  	s31 =	sshll.u32 s1, $0xD;
	s1 =	sshrl.u32 s1, $0x2  }
0xba: {  	s3 =	sand.u32 $0x4000, s31;
	s1 =	sadd.s32 s1, s30  }
0xbb: {  	s0 =	sor.u32 s3, s0;
	s1 =	sshll.u32 s1, $0x11  }
0xbc: {  	s0 =	sor.u32 s1, s0  }
0xbd: {  	s0 =	sadd.s32 $0x8F2B, s0  }
0xbe: {  	[sflag:s0] =	ssyncadd.remote.s32 $0x1  }
0xbf: {  	_ =	sfence.sel $0xFFFF  }
0xc0: {  	[dreg:$0x0] =	wrdreg $0xFFFFFFFF;
	(pc) =	sbr.abs _section_cstart, $3  }
0xc1: {  	[dreg:$0x1] =	wrdreg $0xFFFFFFFF  }
0xc2: {  	_ =	task.clear_ibuf [dreg:s7], $0x2FFFF;
	_ =	strace $0x9FFFFFFF  }
0xc3: {  	(tm) =	ssettm $0x7FFFFFFF  }
tec
execute0_lowered:
.L_overlay_start_1:
0x0: {  	(tag) =	ssettag $0x1  }
0x1: {  	s6 =	rddreg [dreg:$0x0]  }
0x2: {  	s1 =	srdreg.scid;
	s8 =	rddreg [dreg:$0x1]  }
0x3: {  	s0 =	stileid.u32;
	s2 =	rddreg [dreg:$0x2];
	s14 =	simm.s32 $0x2800  }
0x4: {  	s15 =	simm.s32 $0x1;
	s16 =	simm.s32 $0x2;
	s17 =	simm.s32 $0x50  }
0x5: {  	s18 =	simm.s32 $0x6800;
	s19 =	simm.s32 $0x9000;
	s20 =	simm.s32 $0x3  }
0x6: {  	s21 =	simm.s32 $0x27B0;
	s22 =	simm.s32 $0x6700;
	s23 =	simm.s32 $0x6780  }
0x7: {  	s25 =	simm.s32 $0x0;
	s7 =	sand.u32 $0x1, s1;
	s11 =	smul.u32 $0x14000, s0  }
0x8: {  	s29 =	sshll.u32 s0, $0x1;
	s3 =	sshrl.u32 s0, $0x2;
	s30 =	smul.u32 $0x50000, s0  }
0x9: {  	s1 =	rddreg [dreg:$0x3];
	s24 =	sshll.u32 s0, $0x6;
	s4 =	smul.u32 $0x14000, s3  }
0xa: {  	s9 =	sor.u32 s7, s29;
	s3 =	simm.s32 $0x0;
	s10 =	smul.u32 $0x140000, s7  }
0xb: {  	s7 =	ssub.s32 $0x2, s7;
	s5 =	sshll.u32 s9, $0x7;
	[smem:$0x7FF] =	sst s3  }
0xc: {  	s31 =	sshrl.u32 s7, $0x1;
	s9 =	sshll.u32 s9, $0xB;
	s5 =	sand.u32 $0x380, s5  }
0xd: {  	_ =	strace $0x8000004A;
	s10 =	sadd.s32 s11, s10;
	s11 =	sshrl.u32 s30, $0x2  }
0xe: {  	s13 =	ssub.s32 s7, s31;
	s8 =	sadd.s32 s8, s9;
	s5 =	sor.u32 s4, s5  }
0xf: {  	s4 =	sadd.s32 $0x19400, s6;
	s10 =	sshrl.u32 s10, $0x3;
	s11 =	sadd.s32 s11, s2  }
0x10: {  	s5 =	sshrl.u32 s5, $0x3;
	s10 =	sadd.s32 s10, s6;
	s11 =	sshrl.u32 s11, $0x3  }
0x11: {  	s12 =	sadd.s32 s5, s6;
	s5 =	sadd.s32 $0x4600, s6;
	s6 =	sor.u32 $0x1C01, s24  }
0x12: {  	s9 =	sadd.s32 $0x41400, s10;
	s10 =	smax.u32 s13, $0x1;
	s13 =	simm.s32 $0x400  }
0x13: {  	s24 =	sor.u32 $0x1C03, s24;
	s7 =	sadd.s32 $0xF400, s12;
	s12 =	simm.s32 $0x80  }
.LBB2_1:
0x14: {  	[spmem:s11], [sflag:s6] =	dma.local [hbm:s5], $0x2800  }
0x15: {  	[tilespmem:s3], [sflag:$0x2] =	stream.strided.gather [hbm4b:s7+s12], $0x2800, s13, s12, $0x38;
	[tilespmem:$0x1F800] =	vst v63  }
0x16: {  	_ = 	snop  }
0x17: {  	[tilespmem:s14], [sflag:$0x2] =	stream.linear.gather [hbm4b:s8+s3], $0x4000, $0x38;
	[tilespmem:$0x1F800] =	vst v63  }
0x18: {  	_ =	swait.ge [sflag:s15], $0x2800  }
0x19: {  	[sflag:s15] =	ssyncset.done $0x0  }
0x1a: {  	[sflag:s15] =	ssyncadd.s32 $0xFFFFD800  }
0x1b: {  	_ =	swait.ge [sflag:s16], $0x2800  }
0x1c: {  	[sflag:s16] =	ssyncset.done $0x0  }
0x1d: {  	[sflag:s16] =	ssyncadd.s32 $0xFFFFD800  }
0x1e: {  	_ =	swait.ge [sflag:s16], $0x4000  }
0x1f: {  	[sflag:s16] =	ssyncset.done $0x0  }
0x20: {  	[sflag:s16] =	ssyncadd.s32 $0xFFFFC000  }
0x21: {  	[bflag:$0x0] =	sbarrier.arrive $0xFFFF  }
0x22: {  	[tilespmem:s18], [sflag:$0x1] =	stream.indirect.gather [hbm4b:s4+s17], $0x80, s3, s17, $0xb8;
	[tilespmem:$0x1F800] =	vst v63  }
0x23: {  	_ =	swait.ge [sflag:s15], $0x2800  }
0x24: {  	[sflag:s15] =	ssyncset.done $0x0  }
0x25: {  	s26 =	simm.s32 $0x50;
	[sflag:s15] =	ssyncadd.s32 $0xFFFFD800  }
0x26: {  	[tilespmem:s19], [sflag:$0x2] =	stream.indirect.gather [hbm4b:s4+s17], $0x80, s26, s17, $0xb8;
	[tilespmem:$0x1F800] =	vst v63  }
0x27: {  	s31 =	simm.s32 $0x2800  }
0x28: {  	[spmem:s2] =	stream.indirect.scatter.add.f32 [tilespmem:s18], [sflag:$0x3], $0x80, s31, s17, $0xb8;
	[tilespmem:$0x1F800] =	vst v63  }
0x29: {  	_ =	swait.ge [sflag:s20], $0x2800  }
0x2a: {  	[sflag:s20] =	ssyncset.done $0x0  }
0x2b: {  	[sflag:s20] =	ssyncadd.s32 $0xFFFFD800  }
0x2c: {  	_ =	swait.ge [sflag:s16], $0x2800  }
0x2d: {  	[sflag:s16] =	ssyncset.done $0x0  }
0x2e: {  	s26 =	simm.s32 $0xA0;
	[sflag:s16] =	ssyncadd.s32 $0xFFFFD800  }
0x2f: {  	[tilespmem:s18], [sflag:$0x1] =	stream.indirect.gather [hbm4b:s4+s17], $0x80, s26, s17, $0xb8;
	[tilespmem:$0x1F800] =	vst v63  }
0x30: {  	s28 =	simm.s32 $0x2880  }
0x31: {  	[spmem:s2] =	stream.indirect.scatter.add.f32 [tilespmem:s19], [sflag:$0x3], $0x80, s28, s17, $0xb8;
	[tilespmem:$0x1F800] =	vst v63  }
0x32: {  	_ =	swait.ge [sflag:s20], $0x2800  }
0x33: {  	s28 =	simm.s32 $0x400;
	[sflag:s20] =	ssyncset.done $0x0  }
.LBB2_2:
0x34: {  	p0 =	sne.s32 s28, $0xF800;
	[sflag:s20] =	ssyncadd.s32 $0xFFFFD800;
	s26 =	sadd.s32 $0xA0, s26  }
0x35: {  	s29 =	smov.u32 s28;
	s28 =	sadd.s32 $0x400, s28  }
0x36: {  	_ =	swait.ge [sflag:s15], $0x2800  }
0x37: {  	[sflag:s15] =	ssyncset.done $0x0  }
0x38: {  	s30 =	sadd.s32 $0xFFFFFFB0, s26;
	s29 =	sshra.s32 s29, $0x2;
	[sflag:s15] =	ssyncadd.s32 $0xFFFFD800  }
0x39: {  	[tilespmem:s19], [sflag:$0x2] =	stream.indirect.gather [hbm4b:s4+s17], $0x80, s30, s17, $0xb8;
	[tilespmem:$0x1F800] =	vst v63  }
0x3a: {  	s30 =	sadd.s32 $0x2800, s29  }
0x3b: {  	[spmem:s2] =	stream.indirect.scatter.add.f32 [tilespmem:s18], [sflag:$0x3], $0x80, s30, s17, $0xb8;
	[tilespmem:$0x1F800] =	vst v63  }
0x3c: {  	_ =	swait.ge [sflag:s20], $0x2800  }
0x3d: {  	[sflag:s20] =	ssyncset.done $0x0  }
0x3e: {  	[sflag:s20] =	ssyncadd.s32 $0xFFFFD800  }
0x3f: {  	_ =	swait.ge [sflag:s16], $0x2800  }
0x40: {  	[sflag:s16] =	ssyncset.done $0x0  }
0x41: {  	[sflag:s16] =	ssyncadd.s32 $0xFFFFD800  }
0x42: {  	[tilespmem:s18], [sflag:$0x1] =	stream.indirect.gather [hbm4b:s4+s17], $0x80, s26, s17, $0xb8;
	[tilespmem:$0x1F800] =	vst v63  }
.Ltmp0:
0x43: {  	_ = 	snop;
	(pc) =	sbr.rel @p0 .LBB2_2-.Ltmp0, $4  }
0x44: {  	s29 =	sadd.s32 $0x2880, s29  }
0x45: {  	[spmem:s2] =	stream.indirect.scatter.add.f32 [tilespmem:s19], [sflag:$0x3], $0x80, s29, s17, $0xb8;
	[tilespmem:$0x1F800] =	vst v63  }
0x46: {  	_ =	swait.ge [sflag:s20], $0x2800  }
0x47: {  	[sflag:s20] =	ssyncset.done $0x0  }
0x48: {  	[sflag:s20] =	ssyncadd.s32 $0xFFFFD800  }
0x49: {  	_ =	swait.ge [sflag:s15], $0x2800  }
0x4a: {  	[sflag:s15] =	ssyncset.done $0x0  }
0x4b: {  	[sflag:s15] =	ssyncadd.s32 $0xFFFFD800  }
0x4c: {  	[tilespmem:s19], [sflag:$0x2] =	stream.indirect.gather [hbm4b:s4+s17], $0x80, s21, s17, $0xb8;
	[tilespmem:$0x1F800] =	vst v63  }
0x4d: {  	_ = 	snop  }
0x4e: {  	[spmem:s2] =	stream.indirect.scatter.add.f32 [tilespmem:s18], [sflag:$0x3], $0x80, s22, s17, $0xb8;
	[tilespmem:$0x1F800] =	vst v63  }
0x4f: {  	_ =	swait.ge [sflag:s20], $0x2800  }
0x50: {  	[sflag:s20] =	ssyncset.done $0x0  }
0x51: {  	[sflag:s20] =	ssyncadd.s32 $0xFFFFD800  }
0x52: {  	_ =	swait.ge [sflag:s16], $0x2800  }
0x53: {  	[sflag:s16] =	ssyncset.done $0x0  }
0x54: {  	[sflag:s16] =	ssyncadd.s32 $0xFFFFD800  }
0x55: {  	[tilespmem:s18], [sflag:$0x1] =	stream.indirect.gather [hbm4b:s4+s17], $0x80, s21, s17, $0xb8;
	[tilespmem:$0x1F800] =	vst v63  }
0x56: {  	_ = 	snop  }
0x57: {  	[spmem:s2] =	stream.indirect.scatter.add.f32 [tilespmem:s19], [sflag:$0x3], $0x80, s23, s17, $0xb8;
	[tilespmem:$0x1F800] =	vst v63  }
0x58: {  	_ =	swait.ge [sflag:s20], $0x2800  }
0x59: {  	[sflag:s20] =	ssyncset.done $0x0  }
0x5a: {  	[sflag:s20] =	ssyncadd.s32 $0xFFFFD800  }
0x5b: {  	_ =	swait.ge [sflag:s15], $0x2800  }
0x5c: {  	s25 =	sadd.s32 $0x1, s25;
	[sflag:s15] =	ssyncset.done $0x0  }
0x5d: {  	p0 =	sne.s32 s25, s10;
	[sflag:s15] =	ssyncadd.s32 $0xFFFFD800  }
.Ltmp1:
0x5e: {  	[bflag:$0x0] =	sbarrier.arrive $0xFFFF;
	(pc) =	sbr.rel @p0 .LBB2_1-.Ltmp1, $4  }
0x5f: {  	[hbm:s9], [sflag:s24] =	dma.local [spmem:s11], $0x2800  }
0x60: {  	_ =	swait.ge [sflag:s20], $0x2800  }
0x61: {  	[sflag:s20] =	ssyncset.done $0x0  }
0x62: {  	[sflag:s20] =	ssyncadd.s32 $0xFFFFD800  }
0x63: {  	_ =	sfence.sel $0x180000  }
0x64: {  	[bflag:$0x0] =	sbarrier.arrive $0xFFFF  }
0x65: {  	p0 =	sne.s32 s0, $0x0;
	_ =	strace $0x9000004A  }
0x66: {  	s0 =	sadd.s32 @!p0 $0x100000, s1;
	[bflag:$0x2] =	sbarrier.arrive $0xFFFF  }
0x67: {  	[sflag:s0] =	ssyncadd.tile.s32 @!p0 $0x1;
	_ =	shalt  }
.Lfunc_end2:
_tile_overlayer_lowered:
.L_overlay_start_2:
0x68: {  	(tag) =	ssettag $0x2  }
0x69: {  	s0 =	rddreg [dreg:$0x0];
	s2 =	stileid.u32  }
0x6a: {  	s1 =	rddreg [dreg:$0x1];
	p0 =	sne.s32 s2, $0x0  }
0x6b: {  	s3 =	rddreg [dreg:$0x2];
	[bflag:$0x3] =	sbarrier.arrive $0xFFFF;
	s2 =	simm.s32 @!p0 $0x1C03  }
0x6c: {  	[timem:s3], [sflag:s2] =	dma.local @!p0 [hbm:s0], s1  }
0x6d: {  	s0 =	simm.s32 @!p0 $0x3  }
0x6e: {  	_ =	swait.ge @!p0 [sflag:s0], s1  }
0x6f: {  	s1 =	ssub.s32 @!p0 $0x0, s1;
	[sflag:s0] =	ssyncset.done @!p0 $0x0  }
0x70: {  	[sflag:s0] =	ssyncadd.s32 @!p0 s1  }
0x71: {  	[bflag:$0x3] =	sbarrier.arrive $0xFFFF  }
0x72: {  	_ =	shalt  }

// kernel: kernel.16.cloned.1.call-start
scs
__scs_entry_jumppad:
0x0: {  	(pc) =	sbr.rel $0x88, $3  }
0x1: {  	(tag) =	ssettag $0x0;
	lr =	simm.s32 $0x1  }
0x2: {  	[smem:$0x3F8E] =	sst lr;
	_ =	strace $0xD0000000  }
0x3: {  	_ = 	snop  }
0x4: {  	_ = 	snop  }
0x5: {  	_ = 	snop  }
0x6: {  	_ = 	snop  }
0x7: {  	_ = 	snop  }
__scs_overlays_trampoline_lowered:
0x8: {  	[smem:$0x3F9D] =	sst s0  }
0x9: {  	[smem:$0x3F9E] =	sst s1  }
0xa: {  	[smem:$0x3F9F] =	sst s2  }
0xb: {  	[smem:$0x3FA0] =	sst s3  }
0xc: {  	[smem:$0x3FA1] =	sst s4  }
0xd: {  	[smem:$0x3FA2] =	sst s5  }
0xe: {  	[smem:$0x3FA3] =	sst s6  }
0xf: {  	[smem:$0x3FA4] =	sst s7  }
0x10: {  	[smem:$0x3FA5] =	sst s8  }
0x11: {  	[smem:$0x3FA6] =	sst s9;
	s0 =	simm.s32 @!p0 $0x0  }
0x12: {  	s1 =	sld [smem:$0x3F8C];
	s0 =	simm.s32 @p0 $0x1  }
0x13: {  	[smem:$0x3FA7] =	sst s0;
	s0 =	simm.s32 @!p1 $0x0  }
0x14: {  	s2 =	sld [smem:$0x3F8B];
	s0 =	simm.s32 @p1 $0x1  }
0x15: {  	[smem:$0x3FA8] =	sst s0;
	s0 =	simm.s32 @!p2 $0x0  }
0x16: {  	s3 =	sld [smem:$0x3FDB];
	s0 =	simm.s32 @p2 $0x1  }
0x17: {  	s4 =	simm.s32 $0x1BF5;
	[smem:$0x3FAA] =	sst s0  }
0x18: {  	s0 =	sld [smem:$0x3F8D];
	_ =	swait.ge [sflag:s4], $0x0  }
0x19: {  	s7 =	sld [smem:$0x3F8E]  }
0x1a: {  	s8 =	sadd.s32 $0xFFFFE003, lr  }
0x1b: {  	s9 =	sadd.s32 $0xFFFFFEF7, lr;
	s5 =	simm.s32 $0xFFFFFFFF;
	p2 =	slt.u32 s8, $0xFFFFF086  }
0x1c: {  	p1 =	slt.u32 s9, $0xF7A;
	s5 =	simm.s32 @!p2 $0x0  }
0x1d: {  	s5 =	simm.s32 @p1 $0x1;
	p0 =	seq.s32 s7, s2  }
0x1e: {  	s7 =	smul.u32 @!p0 $0xF7A, s2;
	p2 =	seq.s32 @!p0 s5, $0x0  }
0x1f: {  	s9 =	smul.u32 $0xF7A, s1;
	s8 =	simm.s32 @!p0 $0x1BF5;
	p2 =	por !p2, p0  }
0x20: {  	[sflag:s8] =	ssyncset.s32 @!p0 $0xFFFFF086;
	s6 =	sadd.s32 @!p0 s3, s7;
	s7 =	simm.s32 @!p0 $0x108  }
0x21: {  	s3 =	sadd.s32 s3, s9;
	s6 =	sadd.s32 @!p0 $0x88, s6;
	s7 =	simm.s32 @p2 $0x1082  }
0x22: {  	[simem:s7], [sflag:s8] =	dma.local @!p0 [hbm:s6], $0xF7A  }
0x23: {  	s9 =	sor.u32 $0xD0000000, s2;
	s6 =	simm.s32 $0x108;
	_ =	swait.ge @!p0 [sflag:s8], $0x0  }
0x24: {  	s3 =	sadd.s32 $0x88, s3;
	s6 =	simm.s32 @!p1 $0x1082;
	[sflag:s4] =	ssyncset.s32 $0xFFFFF086  }
0x25: {  	[simem:s6], [sflag:s4] =	dma.local [hbm:s3], $0xF7A  }
0x26: {  	[smem:$0x3F8E] =	sst s1;
	(tag) =	ssettag s2;
	_ =	strace s9  }
0x27: {  	s1 =	sld [smem:$0x3F9E]  }
0x28: {  	s2 =	sld [smem:$0x3F9F]  }
0x29: {  	s4 =	sld [smem:$0x3FA1]  }
0x2a: {  	p0 =	seq.s32 s5, $0x0;
	s5 =	sld [smem:$0x3FA2]  }
0x2b: {  	s6 =	sld [smem:$0x3FA3]  }
0x2c: {  	s7 =	sld [smem:$0x3FA4]  }
0x2d: {  	s3 =	simm.s32 $0x108;
	s8 =	sld [smem:$0x3FA5]  }
0x2e: {  	s3 =	simm.s32 @!p0 $0x1082;
	s9 =	sld [smem:$0x3FA6]  }
0x2f: {  	lr =	sadd.s32 s0, s3;
	s0 =	sld [smem:$0x3F9D]  }
0x30: {  	s3 =	sld [smem:$0x3FA0]  }
0x31: {  	[smem:$0x3FA9] =	sst s10  }
0x32: {  	s10 =	sld [smem:$0x3FA7];
	_ =	sdelay $0x3  }
0x33: {  	p0 =	seq.s32 s10, $0x1;
	s10 =	sld [smem:$0x3FA9];
	_ =	sdelay $0x3  }
0x34: {  	[smem:$0x3FA9] =	sst s10  }
0x35: {  	s10 =	sld [smem:$0x3FA8];
	_ =	sdelay $0x3  }
0x36: {  	p1 =	seq.s32 s10, $0x1;
	s10 =	sld [smem:$0x3FA9];
	_ =	sdelay $0x3  }
0x37: {  	[smem:$0x3FA9] =	sst s10  }
0x38: {  	s10 =	sld [smem:$0x3FAA]  }
0x39: {  	_ = 	snop;
	(pc) =	sbr.ind lr, $3  }
0x3a: {  	_ = 	snop  }
0x3b: {  	_ = 	snop  }
0x3c: {  	p2 =	seq.s32 s10, $0x1;
	s10 =	sld [smem:$0x3FA9]  }
0x3d: {  	_ =	shalt  }
0x3e: {  	_ =	shalt  }
0x3f: {  	_ =	shalt  }
0x40: {  	_ =	shalt  }
0x41: {  	_ =	shalt  }
0x42: {  	_ =	shalt  }
0x43: {  	_ =	shalt  }
0x44: {  	_ =	shalt  }
0x45: {  	_ =	shalt  }
0x46: {  	_ =	shalt  }
0x47: {  	_ =	shalt  }
0x48: {  	_ =	shalt  }
0x49: {  	_ =	shalt  }
0x4a: {  	_ =	shalt  }
0x4b: {  	_ =	shalt  }
0x4c: {  	_ =	shalt  }
0x4d: {  	_ =	shalt  }
0x4e: {  	_ =	shalt  }
0x4f: {  	_ =	shalt  }
0x50: {  	_ =	shalt  }
0x51: {  	_ =	shalt  }
0x52: {  	_ =	shalt  }
0x53: {  	_ =	shalt  }
0x54: {  	_ =	shalt  }
0x55: {  	_ =	shalt  }
0x56: {  	_ =	shalt  }
0x57: {  	_ =	shalt  }
0x58: {  	_ =	shalt  }
0x59: {  	_ =	shalt  }
0x5a: {  	_ =	shalt  }
0x5b: {  	_ =	shalt  }
0x5c: {  	_ =	shalt  }
0x5d: {  	_ =	shalt  }
0x5e: {  	_ =	shalt  }
0x5f: {  	_ =	shalt  }
0x60: {  	_ =	shalt  }
0x61: {  	_ =	shalt  }
0x62: {  	_ =	shalt  }
0x63: {  	_ =	shalt  }
0x64: {  	_ =	shalt  }
0x65: {  	_ =	shalt  }
0x66: {  	_ =	shalt  }
0x67: {  	_ =	shalt  }
0x68: {  	_ =	shalt  }
0x69: {  	_ =	shalt  }
0x6a: {  	_ =	shalt  }
0x6b: {  	_ =	shalt  }
0x6c: {  	_ =	shalt  }
0x6d: {  	_ =	shalt  }
0x6e: {  	_ =	shalt  }
0x6f: {  	_ =	shalt  }
0x70: {  	_ =	shalt  }
0x71: {  	_ =	shalt  }
0x72: {  	_ =	shalt  }
0x73: {  	_ =	shalt  }
0x74: {  	_ =	shalt  }
0x75: {  	_ =	shalt  }
0x76: {  	_ =	shalt  }
0x77: {  	_ =	shalt  }
0x78: {  	_ =	shalt  }
0x79: {  	_ =	shalt  }
0x7a: {  	_ =	shalt  }
0x7b: {  	_ =	shalt  }
0x7c: {  	_ =	shalt  }
0x7d: {  	_ =	shalt  }
0x7e: {  	_ =	shalt  }
0x7f: {  	_ =	shalt  }
0x80: {  	_ =	shalt  }
0x81: {  	_ =	shalt  }
0x82: {  	_ =	shalt  }
0x83: {  	_ =	shalt  }
0x84: {  	_ =	shalt  }
0x85: {  	_ =	shalt  }
0x86: {  	_ =	shalt  }
0x87: {  	_ =	shalt  }
.Lfunc_end0:
.L_simem_size_0:
called_computation.2_lowered:
.L_overlay_start_0:
0x88: {  	s2 =	sld [smem:$0x3FD9]  }
0x89: {  	s3 =	sld [smem:$0x3FFE];
	_ =	sdelay $0x1  }
0x8a: {  	s1 =	srdreg.scid  }
0x8b: {  	s0 =	sand.u32 $0x1, s1  }
0x8c: {  	s17 =	sshll.u32 s0, $0xA;
	s2 =	sadd.s32 s3, s2  }
0x8d: {  	s2 =	sadd.s32 s2, s17  }
0x8e: {  	[smem:$0x3FB5] =	sst s2  }
0x8f: {  	_ = 	snop  }
0x90: {  	s2 =	sld [smem:$0x3FD0];
	(tm) =	ssettm $0x1  }
0x91: {  	s18 =	sld [smem:$0x3FFB];
	_ =	sdelay $0x3  }
0x92: {  	_ =	strace s18  }
0x93: {  	s3 =	sld [smem:$0x3FFC];
	_ =	sdelay $0x3  }
0x94: {  	_ =	strace s3  }
0x95: {  	s3 =	sld [smem:$0x3FFD];
	_ =	sdelay $0x3  }
0x96: {  	_ =	strace s3  }
0x97: {  	_ =	strace $0x8FFFFFFF  }
0x98: {  	s19 =	sld [smem:$0x3FDB];
	_ =	sdelay $0x1  }
0x99: {  	s4 =	simm.s32 $_scs_section_size  }
0x9a: {  	s5 =	simm.s32 $_size__tile_overlayer_lowered;
	s6 =	simm.s32 $_tile_overlayer_lowered  }
0x9b: {  	s22 =	simm.s32 $0x1BFF;
	s21 =	sshll.u32 s6, $0x1;
	s3 =	sadd.s32 s4, s19  }
0x9c: {  	s7 =	simm.s32 $0x0;
	s20 =	sshll.u32 s5, $0x1;
	s5 =	sadd.s32 s21, s3  }
0x9d: {  	[timem:s7], [sflag:s22] =	dma.local [hbm:s5], s20  }
0x9e: {  	_ =	swait.ge [sflag:s22], s20  }
0x9f: {  	s4 =	ssub.s32 $0x0, s20;
	[sflag:s22] =	ssyncset.done $0x0  }
0xa0: {  	[sflag:s22] =	ssyncadd.s32 s4;
	_ =	sdelay $0x1  }
0xa1: {  	s23 =	simm.s32 $0x1B8B  }
0xa2: {  	_ =	swait.ge [sflag:s23], $0x1  }
0xa3: {  	[sflag:s23] =	ssyncset.done $0x0  }
0xa4: {  	s25 =	simm.s32 $0x1B8E;
	s24 =	sld [smem:$0x3FFE];
	[sflag:s23] =	ssyncadd.s32 $0xFFFFFFFF  }
0xa5: {  	s26 =	simm.s32 $execute0_lowered;
	[smem:$0x3FD2] =	sst s25  }
0xa6: {  	s5 =	sshll.u32 s26, $0x1;
	_ =	strace $0x8000004C;
	[dreg:$0x1] =	wrdreg $0xFFFFFFFF  }
0xa7: {  	s28 =	simm.s32 $_size_execute0_lowered;
	s3 =	sadd.s32 s3, s5;
	[dreg:$0x0] =	wrdreg $0x0  }
0xa8: {  	s5 =	sshll.u32 s28, $0x1;
	[dreg:$0x2] =	wrdreg s3  }
0xa9: {  	[dreg:$0x3] =	wrdreg s5  }
0xaa: {  	[dreg:$0x4] =	wrdreg $0xC0  }
0xab: {  	_ =	task [dreg:s7], $0x5FFFF  }
0xac: {  	[dreg:$0x1] =	wrdreg $0xFFFFFFFF  }
0xad: {  	[dreg:$0x0] =	wrdreg $0x60  }
0xae: {  	[dreg:$0x2] =	wrdreg s24  }
0xaf: {  	[dreg:$0x3] =	wrdreg s2  }
0xb0: {  	[dreg:$0x4] =	wrdreg $0xB8000  }
0xb1: {  	[dreg:$0x5] =	wrdreg $0x9  }
0xb2: {  	_ =	task.clear_ibuf [dreg:s7], $0x6FFFF;
	_ =	strace $0x9000004C  }
0xb3: {  	s29 =	simm.s32 $0x9;
	_ =	strace $0x8000004E  }
0xb4: {  	_ =	swait.ge [sflag:s29], $0x1  }
0xb5: {  	[sflag:s29] =	ssyncadd.s32 $0xFFFFFFFF  }
0xb6: {  	_ =	strace $0x9000004E  }
0xb7: {  	_ =	sfence  }
0xb8: {  	s30 =	sld [smem:$0x0];
	_ =	sdelay $0x2  }
0xb9: {  	s31 =	sshll.u32 s1, $0xD;
	s1 =	sshrl.u32 s1, $0x2  }
0xba: {  	s3 =	sand.u32 $0x4000, s31;
	s1 =	sadd.s32 s1, s30  }
0xbb: {  	s0 =	sor.u32 s3, s0;
	s1 =	sshll.u32 s1, $0x11  }
0xbc: {  	s0 =	sor.u32 s1, s0  }
0xbd: {  	s0 =	sadd.s32 $0x8F2B, s0  }
0xbe: {  	[sflag:s0] =	ssyncadd.remote.s32 $0x1  }
0xbf: {  	_ =	sfence.sel $0xFFFF  }
0xc0: {  	[dreg:$0x0] =	wrdreg $0xFFFFFFFF;
	(pc) =	sbr.abs _section_cstart, $3  }
0xc1: {  	[dreg:$0x1] =	wrdreg $0xFFFFFFFF  }
0xc2: {  	_ =	task.clear_ibuf [dreg:s7], $0x2FFFF;
	_ =	strace $0x9FFFFFFF  }
0xc3: {  	(tm) =	ssettm $0x7FFFFFFF  }
tec
execute0_lowered:
.L_overlay_start_1:
0x0: {  	(tag) =	ssettag $0x1  }
0x1: {  	s6 =	rddreg [dreg:$0x0]  }
0x2: {  	s1 =	srdreg.scid;
	s8 =	rddreg [dreg:$0x1]  }
0x3: {  	s0 =	stileid.u32;
	s2 =	rddreg [dreg:$0x2];
	s14 =	simm.s32 $0x2800  }
0x4: {  	s15 =	simm.s32 $0x1;
	s16 =	simm.s32 $0x2;
	s17 =	simm.s32 $0x50  }
0x5: {  	s18 =	simm.s32 $0x6800;
	s19 =	simm.s32 $0x9000;
	s20 =	simm.s32 $0x3  }
0x6: {  	s21 =	simm.s32 $0x27B0;
	s22 =	simm.s32 $0x6700;
	s23 =	simm.s32 $0x6780  }
0x7: {  	s25 =	simm.s32 $0x0;
	s7 =	sand.u32 $0x1, s1;
	s11 =	smul.u32 $0x14000, s0  }
0x8: {  	s29 =	sshll.u32 s0, $0x1;
	s3 =	sshrl.u32 s0, $0x2;
	s30 =	smul.u32 $0x50000, s0  }
0x9: {  	s1 =	rddreg [dreg:$0x3];
	s24 =	sshll.u32 s0, $0x6;
	s4 =	smul.u32 $0x14000, s3  }
0xa: {  	s9 =	sor.u32 s7, s29;
	s3 =	simm.s32 $0x0;
	s10 =	smul.u32 $0x140000, s7  }
0xb: {  	s7 =	ssub.s32 $0x2, s7;
	s5 =	sshll.u32 s9, $0x7;
	[smem:$0x7FF] =	sst s3  }
0xc: {  	s31 =	sshrl.u32 s7, $0x1;
	s9 =	sshll.u32 s9, $0xB;
	s5 =	sand.u32 $0x380, s5  }
0xd: {  	_ =	strace $0x8000004D;
	s10 =	sadd.s32 s11, s10;
	s11 =	sshrl.u32 s30, $0x2  }
0xe: {  	s13 =	ssub.s32 s7, s31;
	s8 =	sadd.s32 s8, s9;
	s5 =	sor.u32 s4, s5  }
0xf: {  	s4 =	sadd.s32 $0x19400, s6;
	s10 =	sshrl.u32 s10, $0x3;
	s11 =	sadd.s32 s11, s2  }
0x10: {  	s5 =	sshrl.u32 s5, $0x3;
	s10 =	sadd.s32 s10, s6;
	s11 =	sshrl.u32 s11, $0x3  }
0x11: {  	s12 =	sadd.s32 s5, s6;
	s5 =	sadd.s32 $0x4600, s6;
	s6 =	sor.u32 $0x1C01, s24  }
0x12: {  	s9 =	sadd.s32 $0x41400, s10;
	s10 =	smax.u32 s13, $0x1;
	s13 =	simm.s32 $0x400  }
0x13: {  	s24 =	sor.u32 $0x1C03, s24;
	s7 =	sadd.s32 $0xF400, s12;
	s12 =	simm.s32 $0x80  }
.LBB2_1:
0x14: {  	[spmem:s11], [sflag:s6] =	dma.local [hbm:s5], $0x2800  }
0x15: {  	[tilespmem:s3], [sflag:$0x2] =	stream.strided.gather [hbm4b:s7+s12], $0x2800, s13, s12, $0x38;
	[tilespmem:$0x1F800] =	vst v63  }
0x16: {  	_ = 	snop  }
0x17: {  	[tilespmem:s14], [sflag:$0x2] =	stream.linear.gather [hbm4b:s8+s3], $0x4000, $0x38;
	[tilespmem:$0x1F800] =	vst v63  }
0x18: {  	_ =	swait.ge [sflag:s15], $0x2800  }
0x19: {  	[sflag:s15] =	ssyncset.done $0x0  }
0x1a: {  	[sflag:s15] =	ssyncadd.s32 $0xFFFFD800  }
0x1b: {  	_ =	swait.ge [sflag:s16], $0x2800  }
0x1c: {  	[sflag:s16] =	ssyncset.done $0x0  }
0x1d: {  	[sflag:s16] =	ssyncadd.s32 $0xFFFFD800  }
0x1e: {  	_ =	swait.ge [sflag:s16], $0x4000  }
0x1f: {  	[sflag:s16] =	ssyncset.done $0x0  }
0x20: {  	[sflag:s16] =	ssyncadd.s32 $0xFFFFC000  }
0x21: {  	[bflag:$0x0] =	sbarrier.arrive $0xFFFF  }
0x22: {  	[tilespmem:s18], [sflag:$0x1] =	stream.indirect.gather [hbm4b:s4+s17], $0x80, s3, s17, $0xb8;
	[tilespmem:$0x1F800] =	vst v63  }
0x23: {  	_ =	swait.ge [sflag:s15], $0x2800  }
0x24: {  	[sflag:s15] =	ssyncset.done $0x0  }
0x25: {  	s26 =	simm.s32 $0x50;
	[sflag:s15] =	ssyncadd.s32 $0xFFFFD800  }
0x26: {  	[tilespmem:s19], [sflag:$0x2] =	stream.indirect.gather [hbm4b:s4+s17], $0x80, s26, s17, $0xb8;
	[tilespmem:$0x1F800] =	vst v63  }
0x27: {  	s31 =	simm.s32 $0x2800  }
0x28: {  	[spmem:s2] =	stream.indirect.scatter.add.f32 [tilespmem:s18], [sflag:$0x3], $0x80, s31, s17, $0xb8;
	[tilespmem:$0x1F800] =	vst v63  }
0x29: {  	_ =	swait.ge [sflag:s20], $0x2800  }
0x2a: {  	[sflag:s20] =	ssyncset.done $0x0  }
0x2b: {  	[sflag:s20] =	ssyncadd.s32 $0xFFFFD800  }
0x2c: {  	_ =	swait.ge [sflag:s16], $0x2800  }
0x2d: {  	[sflag:s16] =	ssyncset.done $0x0  }
0x2e: {  	s26 =	simm.s32 $0xA0;
	[sflag:s16] =	ssyncadd.s32 $0xFFFFD800  }
0x2f: {  	[tilespmem:s18], [sflag:$0x1] =	stream.indirect.gather [hbm4b:s4+s17], $0x80, s26, s17, $0xb8;
	[tilespmem:$0x1F800] =	vst v63  }
0x30: {  	s28 =	simm.s32 $0x2880  }
0x31: {  	[spmem:s2] =	stream.indirect.scatter.add.f32 [tilespmem:s19], [sflag:$0x3], $0x80, s28, s17, $0xb8;
	[tilespmem:$0x1F800] =	vst v63  }
0x32: {  	_ =	swait.ge [sflag:s20], $0x2800  }
0x33: {  	s28 =	simm.s32 $0x400;
	[sflag:s20] =	ssyncset.done $0x0  }
.LBB2_2:
0x34: {  	p0 =	sne.s32 s28, $0xF800;
	[sflag:s20] =	ssyncadd.s32 $0xFFFFD800;
	s26 =	sadd.s32 $0xA0, s26  }
0x35: {  	s29 =	smov.u32 s28;
	s28 =	sadd.s32 $0x400, s28  }
0x36: {  	_ =	swait.ge [sflag:s15], $0x2800  }
0x37: {  	[sflag:s15] =	ssyncset.done $0x0  }
0x38: {  	s30 =	sadd.s32 $0xFFFFFFB0, s26;
	s29 =	sshra.s32 s29, $0x2;
	[sflag:s15] =	ssyncadd.s32 $0xFFFFD800  }
0x39: {  	[tilespmem:s19], [sflag:$0x2] =	stream.indirect.gather [hbm4b:s4+s17], $0x80, s30, s17, $0xb8;
	[tilespmem:$0x1F800] =	vst v63  }
0x3a: {  	s30 =	sadd.s32 $0x2800, s29  }
0x3b: {  	[spmem:s2] =	stream.indirect.scatter.add.f32 [tilespmem:s18], [sflag:$0x3], $0x80, s30, s17, $0xb8;
	[tilespmem:$0x1F800] =	vst v63  }
0x3c: {  	_ =	swait.ge [sflag:s20], $0x2800  }
0x3d: {  	[sflag:s20] =	ssyncset.done $0x0  }
0x3e: {  	[sflag:s20] =	ssyncadd.s32 $0xFFFFD800  }
0x3f: {  	_ =	swait.ge [sflag:s16], $0x2800  }
0x40: {  	[sflag:s16] =	ssyncset.done $0x0  }
0x41: {  	[sflag:s16] =	ssyncadd.s32 $0xFFFFD800  }
0x42: {  	[tilespmem:s18], [sflag:$0x1] =	stream.indirect.gather [hbm4b:s4+s17], $0x80, s26, s17, $0xb8;
	[tilespmem:$0x1F800] =	vst v63  }
.Ltmp0:
0x43: {  	_ = 	snop;
	(pc) =	sbr.rel @p0 .LBB2_2-.Ltmp0, $4  }
0x44: {  	s29 =	sadd.s32 $0x2880, s29  }
0x45: {  	[spmem:s2] =	stream.indirect.scatter.add.f32 [tilespmem:s19], [sflag:$0x3], $0x80, s29, s17, $0xb8;
	[tilespmem:$0x1F800] =	vst v63  }
0x46: {  	_ =	swait.ge [sflag:s20], $0x2800  }
0x47: {  	[sflag:s20] =	ssyncset.done $0x0  }
0x48: {  	[sflag:s20] =	ssyncadd.s32 $0xFFFFD800  }
0x49: {  	_ =	swait.ge [sflag:s15], $0x2800  }
0x4a: {  	[sflag:s15] =	ssyncset.done $0x0  }
0x4b: {  	[sflag:s15] =	ssyncadd.s32 $0xFFFFD800  }
0x4c: {  	[tilespmem:s19], [sflag:$0x2] =	stream.indirect.gather [hbm4b:s4+s17], $0x80, s21, s17, $0xb8;
	[tilespmem:$0x1F800] =	vst v63  }
0x4d: {  	_ = 	snop  }
0x4e: {  	[spmem:s2] =	stream.indirect.scatter.add.f32 [tilespmem:s18], [sflag:$0x3], $0x80, s22, s17, $0xb8;
	[tilespmem:$0x1F800] =	vst v63  }
0x4f: {  	_ =	swait.ge [sflag:s20], $0x2800  }
0x50: {  	[sflag:s20] =	ssyncset.done $0x0  }
0x51: {  	[sflag:s20] =	ssyncadd.s32 $0xFFFFD800  }
0x52: {  	_ =	swait.ge [sflag:s16], $0x2800  }
0x53: {  	[sflag:s16] =	ssyncset.done $0x0  }
0x54: {  	[sflag:s16] =	ssyncadd.s32 $0xFFFFD800  }
0x55: {  	[tilespmem:s18], [sflag:$0x1] =	stream.indirect.gather [hbm4b:s4+s17], $0x80, s21, s17, $0xb8;
	[tilespmem:$0x1F800] =	vst v63  }
0x56: {  	_ = 	snop  }
0x57: {  	[spmem:s2] =	stream.indirect.scatter.add.f32 [tilespmem:s19], [sflag:$0x3], $0x80, s23, s17, $0xb8;
	[tilespmem:$0x1F800] =	vst v63  }
0x58: {  	_ =	swait.ge [sflag:s20], $0x2800  }
0x59: {  	[sflag:s20] =	ssyncset.done $0x0  }
0x5a: {  	[sflag:s20] =	ssyncadd.s32 $0xFFFFD800  }
0x5b: {  	_ =	swait.ge [sflag:s15], $0x2800  }
0x5c: {  	s25 =	sadd.s32 $0x1, s25;
	[sflag:s15] =	ssyncset.done $0x0  }
0x5d: {  	p0 =	sne.s32 s25, s10;
	[sflag:s15] =	ssyncadd.s32 $0xFFFFD800  }
.Ltmp1:
0x5e: {  	[bflag:$0x0] =	sbarrier.arrive $0xFFFF;
	(pc) =	sbr.rel @p0 .LBB2_1-.Ltmp1, $4  }
0x5f: {  	[hbm:s9], [sflag:s24] =	dma.local [spmem:s11], $0x2800  }
0x60: {  	_ =	swait.ge [sflag:s20], $0x2800  }
0x61: {  	[sflag:s20] =	ssyncset.done $0x0  }
0x62: {  	[sflag:s20] =	ssyncadd.s32 $0xFFFFD800  }
0x63: {  	_ =	sfence.sel $0x180000  }
0x64: {  	[bflag:$0x0] =	sbarrier.arrive $0xFFFF  }
0x65: {  	p0 =	sne.s32 s0, $0x0;
	_ =	strace $0x9000004D  }
0x66: {  	s0 =	sadd.s32 @!p0 $0x100000, s1;
	[bflag:$0x2] =	sbarrier.arrive $0xFFFF  }
0x67: {  	[sflag:s0] =	ssyncadd.tile.s32 @!p0 $0x1;
	_ =	shalt  }
.Lfunc_end2:
_tile_overlayer_lowered:
.L_overlay_start_2:
0x68: {  	(tag) =	ssettag $0x2  }
0x69: {  	s0 =	rddreg [dreg:$0x0];
	s2 =	stileid.u32  }
0x6a: {  	s1 =	rddreg [dreg:$0x1];
	p0 =	sne.s32 s2, $0x0  }
0x6b: {  	s3 =	rddreg [dreg:$0x2];
	[bflag:$0x3] =	sbarrier.arrive $0xFFFF;
	s2 =	simm.s32 @!p0 $0x1C03  }
0x6c: {  	[timem:s3], [sflag:s2] =	dma.local @!p0 [hbm:s0], s1  }
0x6d: {  	s0 =	simm.s32 @!p0 $0x3  }
0x6e: {  	_ =	swait.ge @!p0 [sflag:s0], s1  }
0x6f: {  	s1 =	ssub.s32 @!p0 $0x0, s1;
	[sflag:s0] =	ssyncset.done @!p0 $0x0  }
0x70: {  	[sflag:s0] =	ssyncadd.s32 @!p0 s1  }
0x71: {  	[bflag:$0x3] =	sbarrier.arrive $0xFFFF  }
0x72: {  	_ =	shalt  }

// kernel: kernel.19.cloned.1.call-start
scs
__scs_entry_jumppad:
0x0: {  	(pc) =	sbr.rel $0x88, $3  }
0x1: {  	(tag) =	ssettag $0x0;
	lr =	simm.s32 $0x1  }
0x2: {  	[smem:$0x3F8E] =	sst lr;
	_ =	strace $0xD0000000  }
0x3: {  	_ = 	snop  }
0x4: {  	_ = 	snop  }
0x5: {  	_ = 	snop  }
0x6: {  	_ = 	snop  }
0x7: {  	_ = 	snop  }
__scs_overlays_trampoline_lowered:
0x8: {  	[smem:$0x3F9D] =	sst s0  }
0x9: {  	[smem:$0x3F9E] =	sst s1  }
0xa: {  	[smem:$0x3F9F] =	sst s2  }
0xb: {  	[smem:$0x3FA0] =	sst s3  }
0xc: {  	[smem:$0x3FA1] =	sst s4  }
0xd: {  	[smem:$0x3FA2] =	sst s5  }
0xe: {  	[smem:$0x3FA3] =	sst s6  }
0xf: {  	[smem:$0x3FA4] =	sst s7  }
0x10: {  	[smem:$0x3FA5] =	sst s8  }
0x11: {  	[smem:$0x3FA6] =	sst s9;
	s0 =	simm.s32 @!p0 $0x0  }
0x12: {  	s1 =	sld [smem:$0x3F8C];
	s0 =	simm.s32 @p0 $0x1  }
0x13: {  	[smem:$0x3FA7] =	sst s0;
	s0 =	simm.s32 @!p1 $0x0  }
0x14: {  	s2 =	sld [smem:$0x3F8B];
	s0 =	simm.s32 @p1 $0x1  }
0x15: {  	[smem:$0x3FA8] =	sst s0;
	s0 =	simm.s32 @!p2 $0x0  }
0x16: {  	s3 =	sld [smem:$0x3FDB];
	s0 =	simm.s32 @p2 $0x1  }
0x17: {  	s4 =	simm.s32 $0x1BF5;
	[smem:$0x3FAA] =	sst s0  }
0x18: {  	s0 =	sld [smem:$0x3F8D];
	_ =	swait.ge [sflag:s4], $0x0  }
0x19: {  	s7 =	sld [smem:$0x3F8E]  }
0x1a: {  	s8 =	sadd.s32 $0xFFFFE003, lr  }
0x1b: {  	s9 =	sadd.s32 $0xFFFFFEF7, lr;
	s5 =	simm.s32 $0xFFFFFFFF;
	p2 =	slt.u32 s8, $0xFFFFF086  }
0x1c: {  	p1 =	slt.u32 s9, $0xF7A;
	s5 =	simm.s32 @!p2 $0x0  }
0x1d: {  	s5 =	simm.s32 @p1 $0x1;
	p0 =	seq.s32 s7, s2  }
0x1e: {  	s7 =	smul.u32 @!p0 $0xF7A, s2;
	p2 =	seq.s32 @!p0 s5, $0x0  }
0x1f: {  	s9 =	smul.u32 $0xF7A, s1;
	s8 =	simm.s32 @!p0 $0x1BF5;
	p2 =	por !p2, p0  }
0x20: {  	[sflag:s8] =	ssyncset.s32 @!p0 $0xFFFFF086;
	s6 =	sadd.s32 @!p0 s3, s7;
	s7 =	simm.s32 @!p0 $0x108  }
0x21: {  	s3 =	sadd.s32 s3, s9;
	s6 =	sadd.s32 @!p0 $0x88, s6;
	s7 =	simm.s32 @p2 $0x1082  }
0x22: {  	[simem:s7], [sflag:s8] =	dma.local @!p0 [hbm:s6], $0xF7A  }
0x23: {  	s9 =	sor.u32 $0xD0000000, s2;
	s6 =	simm.s32 $0x108;
	_ =	swait.ge @!p0 [sflag:s8], $0x0  }
0x24: {  	s3 =	sadd.s32 $0x88, s3;
	s6 =	simm.s32 @!p1 $0x1082;
	[sflag:s4] =	ssyncset.s32 $0xFFFFF086  }
0x25: {  	[simem:s6], [sflag:s4] =	dma.local [hbm:s3], $0xF7A  }
0x26: {  	[smem:$0x3F8E] =	sst s1;
	(tag) =	ssettag s2;
	_ =	strace s9  }
0x27: {  	s1 =	sld [smem:$0x3F9E]  }
0x28: {  	s2 =	sld [smem:$0x3F9F]  }
0x29: {  	s4 =	sld [smem:$0x3FA1]  }
0x2a: {  	p0 =	seq.s32 s5, $0x0;
	s5 =	sld [smem:$0x3FA2]  }
0x2b: {  	s6 =	sld [smem:$0x3FA3]  }
0x2c: {  	s7 =	sld [smem:$0x3FA4]  }
0x2d: {  	s3 =	simm.s32 $0x108;
	s8 =	sld [smem:$0x3FA5]  }
0x2e: {  	s3 =	simm.s32 @!p0 $0x1082;
	s9 =	sld [smem:$0x3FA6]  }
0x2f: {  	lr =	sadd.s32 s0, s3;
	s0 =	sld [smem:$0x3F9D]  }
0x30: {  	s3 =	sld [smem:$0x3FA0]  }
0x31: {  	[smem:$0x3FA9] =	sst s10  }
0x32: {  	s10 =	sld [smem:$0x3FA7];
	_ =	sdelay $0x3  }
0x33: {  	p0 =	seq.s32 s10, $0x1;
	s10 =	sld [smem:$0x3FA9];
	_ =	sdelay $0x3  }
0x34: {  	[smem:$0x3FA9] =	sst s10  }
0x35: {  	s10 =	sld [smem:$0x3FA8];
	_ =	sdelay $0x3  }
0x36: {  	p1 =	seq.s32 s10, $0x1;
	s10 =	sld [smem:$0x3FA9];
	_ =	sdelay $0x3  }
0x37: {  	[smem:$0x3FA9] =	sst s10  }
0x38: {  	s10 =	sld [smem:$0x3FAA]  }
0x39: {  	_ = 	snop;
	(pc) =	sbr.ind lr, $3  }
0x3a: {  	_ = 	snop  }
0x3b: {  	_ = 	snop  }
0x3c: {  	p2 =	seq.s32 s10, $0x1;
	s10 =	sld [smem:$0x3FA9]  }
0x3d: {  	_ =	shalt  }
0x3e: {  	_ =	shalt  }
0x3f: {  	_ =	shalt  }
0x40: {  	_ =	shalt  }
0x41: {  	_ =	shalt  }
0x42: {  	_ =	shalt  }
0x43: {  	_ =	shalt  }
0x44: {  	_ =	shalt  }
0x45: {  	_ =	shalt  }
0x46: {  	_ =	shalt  }
0x47: {  	_ =	shalt  }
0x48: {  	_ =	shalt  }
0x49: {  	_ =	shalt  }
0x4a: {  	_ =	shalt  }
0x4b: {  	_ =	shalt  }
0x4c: {  	_ =	shalt  }
0x4d: {  	_ =	shalt  }
0x4e: {  	_ =	shalt  }
0x4f: {  	_ =	shalt  }
0x50: {  	_ =	shalt  }
0x51: {  	_ =	shalt  }
0x52: {  	_ =	shalt  }
0x53: {  	_ =	shalt  }
0x54: {  	_ =	shalt  }
0x55: {  	_ =	shalt  }
0x56: {  	_ =	shalt  }
0x57: {  	_ =	shalt  }
0x58: {  	_ =	shalt  }
0x59: {  	_ =	shalt  }
0x5a: {  	_ =	shalt  }
0x5b: {  	_ =	shalt  }
0x5c: {  	_ =	shalt  }
0x5d: {  	_ =	shalt  }
0x5e: {  	_ =	shalt  }
0x5f: {  	_ =	shalt  }
0x60: {  	_ =	shalt  }
0x61: {  	_ =	shalt  }
0x62: {  	_ =	shalt  }
0x63: {  	_ =	shalt  }
0x64: {  	_ =	shalt  }
0x65: {  	_ =	shalt  }
0x66: {  	_ =	shalt  }
0x67: {  	_ =	shalt  }
0x68: {  	_ =	shalt  }
0x69: {  	_ =	shalt  }
0x6a: {  	_ =	shalt  }
0x6b: {  	_ =	shalt  }
0x6c: {  	_ =	shalt  }
0x6d: {  	_ =	shalt  }
0x6e: {  	_ =	shalt  }
0x6f: {  	_ =	shalt  }
0x70: {  	_ =	shalt  }
0x71: {  	_ =	shalt  }
0x72: {  	_ =	shalt  }
0x73: {  	_ =	shalt  }
0x74: {  	_ =	shalt  }
0x75: {  	_ =	shalt  }
0x76: {  	_ =	shalt  }
0x77: {  	_ =	shalt  }
0x78: {  	_ =	shalt  }
0x79: {  	_ =	shalt  }
0x7a: {  	_ =	shalt  }
0x7b: {  	_ =	shalt  }
0x7c: {  	_ =	shalt  }
0x7d: {  	_ =	shalt  }
0x7e: {  	_ =	shalt  }
0x7f: {  	_ =	shalt  }
0x80: {  	_ =	shalt  }
0x81: {  	_ =	shalt  }
0x82: {  	_ =	shalt  }
0x83: {  	_ =	shalt  }
0x84: {  	_ =	shalt  }
0x85: {  	_ =	shalt  }
0x86: {  	_ =	shalt  }
0x87: {  	_ =	shalt  }
.Lfunc_end0:
.L_simem_size_0:
called_computation.3_lowered:
.L_overlay_start_0:
0x88: {  	s2 =	sld [smem:$0x3FD9]  }
0x89: {  	s3 =	sld [smem:$0x3FFE];
	_ =	sdelay $0x1  }
0x8a: {  	s1 =	srdreg.scid  }
0x8b: {  	s0 =	sand.u32 $0x1, s1  }
0x8c: {  	s17 =	sshll.u32 s0, $0xA;
	s2 =	sadd.s32 s3, s2  }
0x8d: {  	s2 =	sadd.s32 s2, s17  }
0x8e: {  	[smem:$0x3FB5] =	sst s2  }
0x8f: {  	_ = 	snop  }
0x90: {  	s2 =	sld [smem:$0x3FD0];
	(tm) =	ssettm $0x1  }
0x91: {  	s18 =	sld [smem:$0x3FFB];
	_ =	sdelay $0x3  }
0x92: {  	_ =	strace s18  }
0x93: {  	s3 =	sld [smem:$0x3FFC];
	_ =	sdelay $0x3  }
0x94: {  	_ =	strace s3  }
0x95: {  	s3 =	sld [smem:$0x3FFD];
	_ =	sdelay $0x3  }
0x96: {  	_ =	strace s3  }
0x97: {  	_ =	strace $0x8FFFFFFF  }
0x98: {  	s19 =	sld [smem:$0x3FDB];
	_ =	sdelay $0x1  }
0x99: {  	s4 =	simm.s32 $_scs_section_size  }
0x9a: {  	s5 =	simm.s32 $_size__tile_overlayer_lowered;
	s6 =	simm.s32 $_tile_overlayer_lowered  }
0x9b: {  	s22 =	simm.s32 $0x1BFF;
	s21 =	sshll.u32 s6, $0x1;
	s3 =	sadd.s32 s4, s19  }
0x9c: {  	s7 =	simm.s32 $0x0;
	s20 =	sshll.u32 s5, $0x1;
	s5 =	sadd.s32 s21, s3  }
0x9d: {  	[timem:s7], [sflag:s22] =	dma.local [hbm:s5], s20  }
0x9e: {  	_ =	swait.ge [sflag:s22], s20  }
0x9f: {  	s4 =	ssub.s32 $0x0, s20;
	[sflag:s22] =	ssyncset.done $0x0  }
0xa0: {  	[sflag:s22] =	ssyncadd.s32 s4;
	_ =	sdelay $0x1  }
0xa1: {  	s23 =	simm.s32 $0x1B8B  }
0xa2: {  	_ =	swait.ge [sflag:s23], $0x1  }
0xa3: {  	[sflag:s23] =	ssyncset.done $0x0  }
0xa4: {  	s25 =	simm.s32 $0x1B8E;
	s24 =	sld [smem:$0x3FFE];
	[sflag:s23] =	ssyncadd.s32 $0xFFFFFFFF  }
0xa5: {  	s26 =	simm.s32 $execute0_lowered;
	[smem:$0x3FD2] =	sst s25  }
0xa6: {  	s5 =	sshll.u32 s26, $0x1;
	_ =	strace $0x8000004F;
	[dreg:$0x1] =	wrdreg $0xFFFFFFFF  }
0xa7: {  	s28 =	simm.s32 $_size_execute0_lowered;
	s3 =	sadd.s32 s3, s5;
	[dreg:$0x0] =	wrdreg $0x0  }
0xa8: {  	s5 =	sshll.u32 s28, $0x1;
	[dreg:$0x2] =	wrdreg s3  }
0xa9: {  	[dreg:$0x3] =	wrdreg s5  }
0xaa: {  	[dreg:$0x4] =	wrdreg $0xC0  }
0xab: {  	_ =	task [dreg:s7], $0x5FFFF  }
0xac: {  	[dreg:$0x1] =	wrdreg $0xFFFFFFFF  }
0xad: {  	[dreg:$0x0] =	wrdreg $0x60  }
0xae: {  	[dreg:$0x2] =	wrdreg s24  }
0xaf: {  	[dreg:$0x3] =	wrdreg s2  }
0xb0: {  	[dreg:$0x4] =	wrdreg $0xB8000  }
0xb1: {  	[dreg:$0x5] =	wrdreg $0x9  }
0xb2: {  	_ =	task.clear_ibuf [dreg:s7], $0x6FFFF;
	_ =	strace $0x9000004F  }
0xb3: {  	s29 =	simm.s32 $0x9;
	_ =	strace $0x80000051  }
0xb4: {  	_ =	swait.ge [sflag:s29], $0x1  }
0xb5: {  	[sflag:s29] =	ssyncadd.s32 $0xFFFFFFFF  }
0xb6: {  	_ =	strace $0x90000051  }
0xb7: {  	_ =	sfence  }
0xb8: {  	s30 =	sld [smem:$0x0];
	_ =	sdelay $0x2  }
0xb9: {  	s31 =	sshll.u32 s1, $0xD;
	s1 =	sshrl.u32 s1, $0x2  }
0xba: {  	s3 =	sand.u32 $0x4000, s31;
	s1 =	sadd.s32 s1, s30  }
0xbb: {  	s0 =	sor.u32 s3, s0;
	s1 =	sshll.u32 s1, $0x11  }
0xbc: {  	s0 =	sor.u32 s1, s0  }
0xbd: {  	s0 =	sadd.s32 $0x8F2B, s0  }
0xbe: {  	[sflag:s0] =	ssyncadd.remote.s32 $0x1  }
0xbf: {  	_ =	sfence.sel $0xFFFF  }
0xc0: {  	[dreg:$0x0] =	wrdreg $0xFFFFFFFF;
	(pc) =	sbr.abs _section_cstart, $3  }
0xc1: {  	[dreg:$0x1] =	wrdreg $0xFFFFFFFF  }
0xc2: {  	_ =	task.clear_ibuf [dreg:s7], $0x2FFFF;
	_ =	strace $0x9FFFFFFF  }
0xc3: {  	(tm) =	ssettm $0x7FFFFFFF  }
tec
execute0_lowered:
.L_overlay_start_1:
0x0: {  	(tag) =	ssettag $0x1  }
0x1: {  	s6 =	rddreg [dreg:$0x0]  }
0x2: {  	s1 =	srdreg.scid;
	s8 =	rddreg [dreg:$0x1]  }
0x3: {  	s0 =	stileid.u32;
	s2 =	rddreg [dreg:$0x2];
	s14 =	simm.s32 $0x2800  }
0x4: {  	s15 =	simm.s32 $0x1;
	s16 =	simm.s32 $0x2;
	s17 =	simm.s32 $0x50  }
0x5: {  	s18 =	simm.s32 $0x6800;
	s19 =	simm.s32 $0x9000;
	s20 =	simm.s32 $0x3  }
0x6: {  	s21 =	simm.s32 $0x27B0;
	s22 =	simm.s32 $0x6700;
	s23 =	simm.s32 $0x6780  }
0x7: {  	s25 =	simm.s32 $0x0;
	s7 =	sand.u32 $0x1, s1;
	s11 =	smul.u32 $0x14000, s0  }
0x8: {  	s29 =	sshll.u32 s0, $0x1;
	s3 =	sshrl.u32 s0, $0x2;
	s30 =	smul.u32 $0x50000, s0  }
0x9: {  	s1 =	rddreg [dreg:$0x3];
	s24 =	sshll.u32 s0, $0x6;
	s4 =	smul.u32 $0x14000, s3  }
0xa: {  	s9 =	sor.u32 s7, s29;
	s3 =	simm.s32 $0x0;
	s10 =	smul.u32 $0x140000, s7  }
0xb: {  	s7 =	ssub.s32 $0x2, s7;
	s5 =	sshll.u32 s9, $0x7;
	[smem:$0x7FF] =	sst s3  }
0xc: {  	s31 =	sshrl.u32 s7, $0x1;
	s9 =	sshll.u32 s9, $0xB;
	s5 =	sand.u32 $0x380, s5  }
0xd: {  	_ =	strace $0x80000050;
	s10 =	sadd.s32 s11, s10;
	s11 =	sshrl.u32 s30, $0x2  }
0xe: {  	s13 =	ssub.s32 s7, s31;
	s8 =	sadd.s32 s8, s9;
	s5 =	sor.u32 s4, s5  }
0xf: {  	s4 =	sadd.s32 $0x19400, s6;
	s10 =	sshrl.u32 s10, $0x3;
	s11 =	sadd.s32 s11, s2  }
0x10: {  	s5 =	sshrl.u32 s5, $0x3;
	s10 =	sadd.s32 s10, s6;
	s11 =	sshrl.u32 s11, $0x3  }
0x11: {  	s12 =	sadd.s32 s5, s6;
	s5 =	sadd.s32 $0x4600, s6;
	s6 =	sor.u32 $0x1C01, s24  }
0x12: {  	s9 =	sadd.s32 $0x41400, s10;
	s10 =	smax.u32 s13, $0x1;
	s13 =	simm.s32 $0x400  }
0x13: {  	s24 =	sor.u32 $0x1C03, s24;
	s7 =	sadd.s32 $0xF400, s12;
	s12 =	simm.s32 $0x80  }
.LBB2_1:
0x14: {  	[spmem:s11], [sflag:s6] =	dma.local [hbm:s5], $0x2800  }
0x15: {  	[tilespmem:s3], [sflag:$0x2] =	stream.strided.gather [hbm4b:s7+s12], $0x2800, s13, s12, $0x38;
	[tilespmem:$0x1F800] =	vst v63  }
0x16: {  	_ = 	snop  }
0x17: {  	[tilespmem:s14], [sflag:$0x2] =	stream.linear.gather [hbm4b:s8+s3], $0x4000, $0x38;
	[tilespmem:$0x1F800] =	vst v63  }
0x18: {  	_ =	swait.ge [sflag:s15], $0x2800  }
0x19: {  	[sflag:s15] =	ssyncset.done $0x0  }
0x1a: {  	[sflag:s15] =	ssyncadd.s32 $0xFFFFD800  }
0x1b: {  	_ =	swait.ge [sflag:s16], $0x2800  }
0x1c: {  	[sflag:s16] =	ssyncset.done $0x0  }
0x1d: {  	[sflag:s16] =	ssyncadd.s32 $0xFFFFD800  }
0x1e: {  	_ =	swait.ge [sflag:s16], $0x4000  }
0x1f: {  	[sflag:s16] =	ssyncset.done $0x0  }
0x20: {  	[sflag:s16] =	ssyncadd.s32 $0xFFFFC000  }
0x21: {  	[bflag:$0x0] =	sbarrier.arrive $0xFFFF  }
0x22: {  	[tilespmem:s18], [sflag:$0x1] =	stream.indirect.gather [hbm4b:s4+s17], $0x80, s3, s17, $0xb8;
	[tilespmem:$0x1F800] =	vst v63  }
0x23: {  	_ =	swait.ge [sflag:s15], $0x2800  }
0x24: {  	[sflag:s15] =	ssyncset.done $0x0  }
0x25: {  	s26 =	simm.s32 $0x50;
	[sflag:s15] =	ssyncadd.s32 $0xFFFFD800  }
0x26: {  	[tilespmem:s19], [sflag:$0x2] =	stream.indirect.gather [hbm4b:s4+s17], $0x80, s26, s17, $0xb8;
	[tilespmem:$0x1F800] =	vst v63  }
0x27: {  	s31 =	simm.s32 $0x2800  }
0x28: {  	[spmem:s2] =	stream.indirect.scatter.add.f32 [tilespmem:s18], [sflag:$0x3], $0x80, s31, s17, $0xb8;
	[tilespmem:$0x1F800] =	vst v63  }
0x29: {  	_ =	swait.ge [sflag:s20], $0x2800  }
0x2a: {  	[sflag:s20] =	ssyncset.done $0x0  }
0x2b: {  	[sflag:s20] =	ssyncadd.s32 $0xFFFFD800  }
0x2c: {  	_ =	swait.ge [sflag:s16], $0x2800  }
0x2d: {  	[sflag:s16] =	ssyncset.done $0x0  }
0x2e: {  	s26 =	simm.s32 $0xA0;
	[sflag:s16] =	ssyncadd.s32 $0xFFFFD800  }
0x2f: {  	[tilespmem:s18], [sflag:$0x1] =	stream.indirect.gather [hbm4b:s4+s17], $0x80, s26, s17, $0xb8;
	[tilespmem:$0x1F800] =	vst v63  }
0x30: {  	s28 =	simm.s32 $0x2880  }
0x31: {  	[spmem:s2] =	stream.indirect.scatter.add.f32 [tilespmem:s19], [sflag:$0x3], $0x80, s28, s17, $0xb8;
	[tilespmem:$0x1F800] =	vst v63  }
0x32: {  	_ =	swait.ge [sflag:s20], $0x2800  }
0x33: {  	s28 =	simm.s32 $0x400;
	[sflag:s20] =	ssyncset.done $0x0  }
.LBB2_2:
0x34: {  	p0 =	sne.s32 s28, $0xF800;
	[sflag:s20] =	ssyncadd.s32 $0xFFFFD800;
	s26 =	sadd.s32 $0xA0, s26  }
0x35: {  	s29 =	smov.u32 s28;
	s28 =	sadd.s32 $0x400, s28  }
0x36: {  	_ =	swait.ge [sflag:s15], $0x2800  }
0x37: {  	[sflag:s15] =	ssyncset.done $0x0  }
0x38: {  	s30 =	sadd.s32 $0xFFFFFFB0, s26;
	s29 =	sshra.s32 s29, $0x2;
	[sflag:s15] =	ssyncadd.s32 $0xFFFFD800  }
0x39: {  	[tilespmem:s19], [sflag:$0x2] =	stream.indirect.gather [hbm4b:s4+s17], $0x80, s30, s17, $0xb8;
	[tilespmem:$0x1F800] =	vst v63  }
0x3a: {  	s30 =	sadd.s32 $0x2800, s29  }
0x3b: {  	[spmem:s2] =	stream.indirect.scatter.add.f32 [tilespmem:s18], [sflag:$0x3], $0x80, s30, s17, $0xb8;
	[tilespmem:$0x1F800] =	vst v63  }
0x3c: {  	_ =	swait.ge [sflag:s20], $0x2800  }
0x3d: {  	[sflag:s20] =	ssyncset.done $0x0  }
0x3e: {  	[sflag:s20] =	ssyncadd.s32 $0xFFFFD800  }
0x3f: {  	_ =	swait.ge [sflag:s16], $0x2800  }
0x40: {  	[sflag:s16] =	ssyncset.done $0x0  }
0x41: {  	[sflag:s16] =	ssyncadd.s32 $0xFFFFD800  }
0x42: {  	[tilespmem:s18], [sflag:$0x1] =	stream.indirect.gather [hbm4b:s4+s17], $0x80, s26, s17, $0xb8;
	[tilespmem:$0x1F800] =	vst v63  }
.Ltmp0:
0x43: {  	_ = 	snop;
	(pc) =	sbr.rel @p0 .LBB2_2-.Ltmp0, $4  }
0x44: {  	s29 =	sadd.s32 $0x2880, s29  }
0x45: {  	[spmem:s2] =	stream.indirect.scatter.add.f32 [tilespmem:s19], [sflag:$0x3], $0x80, s29, s17, $0xb8;
	[tilespmem:$0x1F800] =	vst v63  }
0x46: {  	_ =	swait.ge [sflag:s20], $0x2800  }
0x47: {  	[sflag:s20] =	ssyncset.done $0x0  }
0x48: {  	[sflag:s20] =	ssyncadd.s32 $0xFFFFD800  }
0x49: {  	_ =	swait.ge [sflag:s15], $0x2800  }
0x4a: {  	[sflag:s15] =	ssyncset.done $0x0  }
0x4b: {  	[sflag:s15] =	ssyncadd.s32 $0xFFFFD800  }
0x4c: {  	[tilespmem:s19], [sflag:$0x2] =	stream.indirect.gather [hbm4b:s4+s17], $0x80, s21, s17, $0xb8;
	[tilespmem:$0x1F800] =	vst v63  }
0x4d: {  	_ = 	snop  }
0x4e: {  	[spmem:s2] =	stream.indirect.scatter.add.f32 [tilespmem:s18], [sflag:$0x3], $0x80, s22, s17, $0xb8;
	[tilespmem:$0x1F800] =	vst v63  }
0x4f: {  	_ =	swait.ge [sflag:s20], $0x2800  }
0x50: {  	[sflag:s20] =	ssyncset.done $0x0  }
0x51: {  	[sflag:s20] =	ssyncadd.s32 $0xFFFFD800  }
0x52: {  	_ =	swait.ge [sflag:s16], $0x2800  }
0x53: {  	[sflag:s16] =	ssyncset.done $0x0  }
0x54: {  	[sflag:s16] =	ssyncadd.s32 $0xFFFFD800  }
0x55: {  	[tilespmem:s18], [sflag:$0x1] =	stream.indirect.gather [hbm4b:s4+s17], $0x80, s21, s17, $0xb8;
	[tilespmem:$0x1F800] =	vst v63  }
0x56: {  	_ = 	snop  }
0x57: {  	[spmem:s2] =	stream.indirect.scatter.add.f32 [tilespmem:s19], [sflag:$0x3], $0x80, s23, s17, $0xb8;
	[tilespmem:$0x1F800] =	vst v63  }
0x58: {  	_ =	swait.ge [sflag:s20], $0x2800  }
0x59: {  	[sflag:s20] =	ssyncset.done $0x0  }
0x5a: {  	[sflag:s20] =	ssyncadd.s32 $0xFFFFD800  }
0x5b: {  	_ =	swait.ge [sflag:s15], $0x2800  }
0x5c: {  	s25 =	sadd.s32 $0x1, s25;
	[sflag:s15] =	ssyncset.done $0x0  }
0x5d: {  	p0 =	sne.s32 s25, s10;
	[sflag:s15] =	ssyncadd.s32 $0xFFFFD800  }
.Ltmp1:
0x5e: {  	[bflag:$0x0] =	sbarrier.arrive $0xFFFF;
	(pc) =	sbr.rel @p0 .LBB2_1-.Ltmp1, $4  }
0x5f: {  	[hbm:s9], [sflag:s24] =	dma.local [spmem:s11], $0x2800  }
0x60: {  	_ =	swait.ge [sflag:s20], $0x2800  }
0x61: {  	[sflag:s20] =	ssyncset.done $0x0  }
0x62: {  	[sflag:s20] =	ssyncadd.s32 $0xFFFFD800  }
0x63: {  	_ =	sfence.sel $0x180000  }
0x64: {  	[bflag:$0x0] =	sbarrier.arrive $0xFFFF  }
0x65: {  	p0 =	sne.s32 s0, $0x0;
	_ =	strace $0x90000050  }
0x66: {  	s0 =	sadd.s32 @!p0 $0x100000, s1;
	[bflag:$0x2] =	sbarrier.arrive $0xFFFF  }
0x67: {  	[sflag:s0] =	ssyncadd.tile.s32 @!p0 $0x1;
	_ =	shalt  }
.Lfunc_end2:
_tile_overlayer_lowered:
.L_overlay_start_2:
0x68: {  	(tag) =	ssettag $0x2  }
0x69: {  	s0 =	rddreg [dreg:$0x0];
	s2 =	stileid.u32  }
0x6a: {  	s1 =	rddreg [dreg:$0x1];
	p0 =	sne.s32 s2, $0x0  }
0x6b: {  	s3 =	rddreg [dreg:$0x2];
	[bflag:$0x3] =	sbarrier.arrive $0xFFFF;
	s2 =	simm.s32 @!p0 $0x1C03  }
0x6c: {  	[timem:s3], [sflag:s2] =	dma.local @!p0 [hbm:s0], s1  }
0x6d: {  	s0 =	simm.s32 @!p0 $0x3  }
0x6e: {  	_ =	swait.ge @!p0 [sflag:s0], s1  }
0x6f: {  	s1 =	ssub.s32 @!p0 $0x0, s1;
	[sflag:s0] =	ssyncset.done @!p0 $0x0  }
0x70: {  	[sflag:s0] =	ssyncadd.s32 @!p0 s1  }
0x71: {  	[bflag:$0x3] =	sbarrier.arrive $0xFFFF  }
0x72: {  	_ =	shalt  }

</sc_bundles>
